<compile_context>
chip_gen: v7x
topology: tpu7x:2x2x1
jax: 0.10.2.dev20260603
libtpu: 0.0.44.dev20260713+nightly
codegen_flags: <defaults>
</compile_context>

<pallas_src>
import functools

import jax
import jax.numpy as jnp
from jax import lax
from jax.experimental import pallas as pl
from jax.experimental.pallas import tpu as pltpu
from jax.experimental.pallas import tpu_sc as plsc

T = 8192
D_IN = 2048
D_HID = 8192
D_OUT = 2048
K = 2048

BT = 512

NC = 2
NS = 16
NW = NC * NS
ROWS_PER_W = K // NW
CH = 8
NCH = ROWS_PER_W // CH

_MESH = plsc.VectorSubcoreMesh(core_axis_name="c", subcore_axis_name="s")


@functools.partial(
    pl.kernel,
    mesh=_MESH,
    out_type=[
        jax.ShapeDtypeStruct((K, D_IN), jnp.float32),
        jax.ShapeDtypeStruct((K,), jnp.float32),
        jax.ShapeDtypeStruct((K, D_OUT), jnp.float32),
    ],
    scratch_types=[
        pltpu.VMEM((NCH, CH), jnp.int32),
        pltpu.VMEM((ROWS_PER_W,), jnp.int32),
        pltpu.VMEM((CH, D_IN), jnp.float32),
        pltpu.VMEM((CH, D_IN), jnp.float32),
        pltpu.VMEM((CH, D_IN), jnp.float32),
        pltpu.VMEM((CH, D_IN), jnp.float32),
        pltpu.VMEM((ROWS_PER_W,), jnp.float32),
        pltpu.SemaphoreType.DMA,
        pltpu.SemaphoreType.DMA,
        pltpu.SemaphoreType.DMA,
        pltpu.SemaphoreType.DMA,
        pltpu.SemaphoreType.DMA,
        pltpu.SemaphoreType.DMA,
        pltpu.SemaphoreType.DMA,
        pltpu.SemaphoreType.DMA,
        pltpu.SemaphoreType.DMA,
    ],
)
def _sc_gather(idx3_hbm, idxf_hbm, w1_hbm, b1_hbm, w2_hbm,
               w1o, b1o, w2o,
               idx2d, idx1d, buf0, buf1, buf2, buf3, bias_v,
               semg0, semg1, semg2, semg3, semw0, semw1, semw2, semw3, semb):
    wid = lax.axis_index("s") * NC + lax.axis_index("c")
    base = wid * ROWS_PER_W
    pltpu.sync_copy(idx3_hbm.at[wid], idx2d)

    tables = [(w1_hbm, w1o), (w2_hbm, w2o)]
    seq = [(t, c) for t in range(2) for c in range(NCH)]
    bufs = (buf0, buf1, buf2, buf3)
    gsems = (semg0, semg1, semg2, semg3)
    wsems = (semw0, semw1, semw2, semw3)
    NBUF = 4
    DLY = 2

    def start(k):
        t, c = seq[k]
        tab, _ = tables[t]
        return pltpu.async_copy(tab.at[idx2d.at[c]], bufs[k % NBUF],
                                gsems[k % NBUF])

    def wb_start(k):
        t, c = seq[k]
        _, out = tables[t]
        return pltpu.async_copy(bufs[k % NBUF],
                                out.at[pl.ds(base + c * CH, CH)],
                                wsems[k % NBUF])

    n = len(seq)
    g, w = {}, {}
    g[0] = start(0)
    g[1] = start(1)
    pltpu.sync_copy(idxf_hbm.at[pl.ds(base, ROWS_PER_W)], idx1d)
    bias_cp = pltpu.async_copy(b1_hbm.at[idx1d], bias_v, semb)
    for k in range(2, n):
        if k >= NBUF:
            w[k - NBUF].wait()
        g[k] = start(k)
        g[k - DLY].wait()
        w[k - DLY] = wb_start(k - DLY)
    for k in range(n - DLY, n):
        g[k].wait()
        w[k] = wb_start(k)
    for j in range(n - NBUF, n):
        w[j].wait()

    bias_cp.wait()
    pltpu.sync_copy(bias_v, b1o.at[pl.ds(base, ROWS_PER_W)])


def _mlp_body(b1_ref, b2_ref, x_ref, w1_ref, w2_ref, o_ref):
    a = jax.lax.dot_general(
        x_ref[...], w1_ref[...], (((1,), (1,)), ((), ())),
        preferred_element_type=jnp.float32,
        precision=jax.lax.Precision.DEFAULT)
    h = jnp.maximum(a + b1_ref[...], 0.0)
    o = jax.lax.dot_general(
        h, w2_ref[...], (((1,), (0,)), ((), ())),
        preferred_element_type=jnp.float32,
        precision=jax.lax.Precision.DEFAULT)
    o_ref[...] = o + b2_ref[...]


def _fused_mlp(x, w1_sel, b1_sel, w2_sel, fc2_b):
    grid = (T // BT,)
    return pl.pallas_call(
        _mlp_body,
        grid=grid,
        in_specs=[
            pl.BlockSpec((1, K), lambda i: (0, 0)),
            pl.BlockSpec((1, D_OUT), lambda i: (0, 0)),
            pl.BlockSpec((BT, D_IN), lambda i: (i, 0)),
            pl.BlockSpec((K, D_IN), lambda i: (0, 0)),
            pl.BlockSpec((K, D_OUT), lambda i: (0, 0)),
        ],
        out_specs=pl.BlockSpec((BT, D_OUT), lambda i: (i, 0)),
        out_shape=jax.ShapeDtypeStruct((T, D_OUT), jnp.float32),
        compiler_params=pltpu.CompilerParams(
            dimension_semantics=("parallel",),
            vmem_limit_bytes=128 * 1024 * 1024,
        ),
    )(b1_sel.reshape(1, K), fc2_b.reshape(1, D_OUT), x, w1_sel, w2_sel)


def kernel(x, index_vec, fc1_w, fc1_b, fc2_w_t, fc2_b):
    idx3 = index_vec.reshape(NW, NCH, CH)
    w1_sel, b1_sel, w2_sel = _sc_gather(idx3, index_vec, fc1_w, fc1_b, fc2_w_t)
    return _fused_mlp(x, w1_sel, b1_sel, w2_sel, fc2_b)

# --- scband reference (transcript-rebuilt; emitter-appended) ---
"""Pipeline reference for scband-parallel-selective-mlp-80994493268150 (READ-ONLY COPY).

The authoritative reference and input builder live on the scoring server;
editing this copy changes nothing except your own understanding.
"""

import jax, jax.numpy as jnp
import numpy as np

T = 8192      # tokens = batch(2) * seq(4096)
D_IN = 2048   # in_features
D_HID = 8192  # hidden_features
D_OUT = 2048  # out_features
K = 2048      # number of selected hidden neurons


def setup_inputs(seed: int = 0) -> dict:
    key = jax.random.key(seed)
    ks = jax.random.split(key, 6)
    x = jax.random.normal(ks[0], (T, D_IN), dtype=jnp.float32)
    index_vec = jax.random.randint(ks[1], (K,), 0, D_HID, dtype=jnp.int32)
    # fc1 (ColumnParallelLinear): weight [hidden, in], bias [hidden]
    fc1_w = jax.random.normal(ks[2], (D_HID, D_IN), dtype=jnp.float32) * 0.02
    fc1_b = jax.random.normal(ks[3], (D_HID,), dtype=jnp.float32) * 0.02
    # fc2 (RowParallelLinear): weight [out, hidden]; module uses fc2.weight.t() -> [hidden, out]
    fc2_w_t = jax.random.normal(ks[4], (D_HID, D_OUT), dtype=jnp.float32) * 0.02
    fc2_b = jax.random.normal(ks[5], (D_OUT,), dtype=jnp.float32) * 0.02
    return {"x": x, "index_vec": index_vec, "fc1_w": fc1_w, "fc1_b": fc1_b,
            "fc2_w_t": fc2_w_t, "fc2_b": fc2_b}


def reference(x, index_vec, fc1_w, fc1_b, fc2_w_t, fc2_b):
    # SelectiveMLPFunc:
    #   gather_matmul_col: compute only the selected hidden columns of fc1
    w1_sel = jnp.take(fc1_w, index_vec, axis=0)       # [K, D_IN]
    b1_sel = jnp.take(fc1_b, index_vec, axis=0)       # [K]
    h = jax.nn.relu(x @ w1_sel.T + b1_sel)            # [T, K]
    #   gather_matmul_row: use only the selected rows of fc2_w_t
    w2_sel = jnp.take(fc2_w_t, index_vec, axis=0)     # [K, D_OUT]
    out = h @ w2_sel + fc2_b                          # [T, D_OUT]
    # single-rank process group: all_reduce is identity
    return out

if __name__ == "__main__":
    import jax
    _d = setup_inputs()
    print(jax.jit(kernel)(*tuple(_d.values())))

</pallas_src>

<mosaic_0001>
#map = affine_map<(d0, d1) -> (0, 0, 0)>
#map1 = affine_map<(d0, d1) -> (0)>
#map2 = affine_map<(d0, d1) -> (0, 0)>
module attributes {stable_mosaic.version = 14 : i64} {
  func.func @_sc_gather(%arg0: i32, %arg1: i32, %arg2: memref<32x8x8xi32, #tpu.memory_space<hbm>>, %arg3: memref<2048xi32, #tpu.memory_space<hbm>>, %arg4: memref<8192x2048xf32, #tpu.memory_space<hbm>>, %arg5: memref<8192xf32, #tpu.memory_space<hbm>>, %arg6: memref<8192x2048xf32, #tpu.memory_space<hbm>>, %arg7: memref<2048x2048xf32, #tpu.memory_space<hbm>>, %arg8: memref<2048xf32, #tpu.memory_space<hbm>>, %arg9: memref<2048x2048xf32, #tpu.memory_space<hbm>>, %arg10: memref<8x8xi32, #tpu.memory_space<vmem>>, %arg11: memref<64xi32, #tpu.memory_space<vmem>>, %arg12: memref<8x2048xf32, #tpu.memory_space<vmem>>, %arg13: memref<8x2048xf32, #tpu.memory_space<vmem>>, %arg14: memref<8x2048xf32, #tpu.memory_space<vmem>>, %arg15: memref<8x2048xf32, #tpu.memory_space<vmem>>, %arg16: memref<64xf32, #tpu.memory_space<vmem>>, %arg17: memref<!tpu.dma_semaphore, #tpu.memory_space<semaphore_mem>>, %arg18: memref<!tpu.dma_semaphore, #tpu.memory_space<semaphore_mem>>, %arg19: memref<!tpu.dma_semaphore, #tpu.memory_space<semaphore_mem>>, %arg20: memref<!tpu.dma_semaphore, #tpu.memory_space<semaphore_mem>>, %arg21: memref<!tpu.dma_semaphore, #tpu.memory_space<semaphore_mem>>, %arg22: memref<!tpu.dma_semaphore, #tpu.memory_space<semaphore_mem>>, %arg23: memref<!tpu.dma_semaphore, #tpu.memory_space<semaphore_mem>>, %arg24: memref<!tpu.dma_semaphore, #tpu.memory_space<semaphore_mem>>, %arg25: memref<!tpu.dma_semaphore, #tpu.memory_space<semaphore_mem>>) attributes {dimension_semantics = [#tpu.dimension_semantics<core_parallel>, #tpu.dimension_semantics<subcore_parallel>], iteration_bounds = array<i64: 2, 16>, scalar_prefetch = 0 : i64, scratch_operands = 16 : i64, tpu.core_type = #tpu.core_type<sc_vector_subcore>, window_params = [{transform_indices = #map}, {transform_indices = #map1}, {transform_indices = #map2}, {transform_indices = #map1}, {transform_indices = #map2}, {transform_indices = #map2}, {transform_indices = #map1}, {transform_indices = #map2}]} {
    %mul3A = arith.constant 2 : i32
    %mul3A_0 = arith.muli %arg1, %mul3A : i32
    %add3A = arith.addi %mul3A_0, %arg0 : i32
    %mul3A_1 = arith.constant 64 : i32
    %mul3A_2 = arith.muli %add3A, %mul3A_1 : i32
    "tpu.region"() ({
      %run_scoped3A = tpu.sem_alloc : memref<!tpu.dma_semaphore, #tpu.memory_space<semaphore_mem>>
      %dma_start3A_389 = arith.constant 0 : i32
      %dma_start3A_390 = arith.constant 0 : i32
      %dma_start3A_391 = tpu.memref_slice %arg2[%add3A, %dma_start3A_389, %dma_start3A_390] : memref<32x8x8xi32, #tpu.memory_space<hbm>> -> memref<1x8x8xi32, #tpu.memory_space<hbm>>
      %dma_start3A_392 = tpu.memref_squeeze %dma_start3A_391 : memref<1x8x8xi32, #tpu.memory_space<hbm>> -> memref<8x8xi32, #tpu.memory_space<hbm>>
      %dma_start3A_393 = arith.constant 0 : i32
      %dma_start3A_394 = arith.constant 0 : i32
      %dma_start3A_395 = tpu.memref_slice %arg2[%add3A, %dma_start3A_393, %dma_start3A_394] : memref<32x8x8xi32, #tpu.memory_space<hbm>> -> memref<1x8x8xi32, #tpu.memory_space<hbm>>
      %dma_start3A_396 = tpu.memref_squeeze %dma_start3A_395 : memref<1x8x8xi32, #tpu.memory_space<hbm>> -> memref<8x8xi32, #tpu.memory_space<hbm>>
      tpu.enqueue_dma source(%dma_start3A_396 : memref<8x8xi32, #tpu.memory_space<hbm>>) target(%arg10 : memref<8x8xi32, #tpu.memory_space<vmem>>) target_semaphore(%run_scoped3A : memref<!tpu.dma_semaphore, #tpu.memory_space<semaphore_mem>>)
      %dma_wait3A_397 = arith.constant 0 : i32
      %dma_wait3A_398 = arith.constant 0 : i32
      %dma_wait3A_399 = tpu.memref_slice %arg2[%add3A, %dma_wait3A_397, %dma_wait3A_398] : memref<32x8x8xi32, #tpu.memory_space<hbm>> -> memref<1x8x8xi32, #tpu.memory_space<hbm>>
      %dma_wait3A_400 = tpu.memref_squeeze %dma_wait3A_399 : memref<1x8x8xi32, #tpu.memory_space<hbm>> -> memref<8x8xi32, #tpu.memory_space<hbm>>
      %dma_wait3A_401 = arith.constant 0 : i32
      %dma_wait3A_402 = arith.constant 0 : i32
      %dma_wait3A_403 = tpu.memref_slice %arg2[%add3A, %dma_wait3A_401, %dma_wait3A_402] : memref<32x8x8xi32, #tpu.memory_space<hbm>> -> memref<1x8x8xi32, #tpu.memory_space<hbm>>
      %dma_wait3A_404 = tpu.memref_squeeze %dma_wait3A_403 : memref<1x8x8xi32, #tpu.memory_space<hbm>> -> memref<8x8xi32, #tpu.memory_space<hbm>>
      tpu.wait_dma2 semaphore(%run_scoped3A : memref<!tpu.dma_semaphore, #tpu.memory_space<semaphore_mem>>) src(%dma_wait3A_404 : memref<8x8xi32, #tpu.memory_space<hbm>>) dst(%arg10 : memref<8x8xi32, #tpu.memory_space<vmem>>)
      tpu.yield
    }) : () -> ()
    %dma_start3A = arith.constant 0 : i32
    %dma_start3A_3 = arith.constant 0 : i32
    %dma_start3A_4 = tpu.memref_slice %arg10[%dma_start3A, %dma_start3A_3] : memref<8x8xi32, #tpu.memory_space<vmem>> -> memref<1x8xi32, #tpu.memory_space<vmem>>
    %dma_start3A_5 = tpu.memref_squeeze %dma_start3A_4 : memref<1x8xi32, #tpu.memory_space<vmem>> -> memref<8xi32, #tpu.memory_space<vmem>>
    %dma_start3A_6 = arith.constant 0 : i32
    %dma_start3A_7 = arith.constant 0 : i32
    %dma_start3A_8 = tpu.memref_slice %arg4[%dma_start3A_6, %dma_start3A_7] : memref<8192x2048xf32, #tpu.memory_space<hbm>> -> memref<8192x2048xf32, #tpu.memory_space<hbm>>
    tpu.enqueue_indirect_dma source(%dma_start3A_8 : memref<8192x2048xf32, #tpu.memory_space<hbm>>) target(%arg12 : memref<8x2048xf32, #tpu.memory_space<vmem>>) offsets(%dma_start3A_5 : memref<8xi32, #tpu.memory_space<vmem>>) semaphore(%arg17 : memref<!tpu.dma_semaphore, #tpu.memory_space<semaphore_mem>>)
    %dma_start3A_9 = arith.constant 1 : i32
    %dma_start3A_10 = arith.constant 0 : i32
    %dma_start3A_11 = tpu.memref_slice %arg10[%dma_start3A_9, %dma_start3A_10] : memref<8x8xi32, #tpu.memory_space<vmem>> -> memref<1x8xi32, #tpu.memory_space<vmem>>
    %dma_start3A_12 = tpu.memref_squeeze %dma_start3A_11 : memref<1x8xi32, #tpu.memory_space<vmem>> -> memref<8xi32, #tpu.memory_space<vmem>>
    %dma_start3A_13 = arith.constant 0 : i32
    %dma_start3A_14 = arith.constant 0 : i32
    %dma_start3A_15 = tpu.memref_slice %arg4[%dma_start3A_13, %dma_start3A_14] : memref<8192x2048xf32, #tpu.memory_space<hbm>> -> memref<8192x2048xf32, #tpu.memory_space<hbm>>
    tpu.enqueue_indirect_dma source(%dma_start3A_15 : memref<8192x2048xf32, #tpu.memory_space<hbm>>) target(%arg13 : memref<8x2048xf32, #tpu.memory_space<vmem>>) offsets(%dma_start3A_12 : memref<8xi32, #tpu.memory_space<vmem>>) semaphore(%arg18 : memref<!tpu.dma_semaphore, #tpu.memory_space<semaphore_mem>>)
    "tpu.region"() ({
      %run_scoped3A = tpu.sem_alloc : memref<!tpu.dma_semaphore, #tpu.memory_space<semaphore_mem>>
      %dma_start3A_389 = tpu.memref_slice %arg3[%mul3A_2] : memref<2048xi32, #tpu.memory_space<hbm>> -> memref<64xi32, #tpu.memory_space<hbm>>
      %dma_start3A_390 = tpu.memref_slice %arg3[%mul3A_2] : memref<2048xi32, #tpu.memory_space<hbm>> -> memref<64xi32, #tpu.memory_space<hbm>>
      tpu.enqueue_dma source(%dma_start3A_390 : memref<64xi32, #tpu.memory_space<hbm>>) target(%arg11 : memref<64xi32, #tpu.memory_space<vmem>>) target_semaphore(%run_scoped3A : memref<!tpu.dma_semaphore, #tpu.memory_space<semaphore_mem>>)
      %dma_wait3A_391 = tpu.memref_slice %arg3[%mul3A_2] : memref<2048xi32, #tpu.memory_space<hbm>> -> memref<64xi32, #tpu.memory_space<hbm>>
      %dma_wait3A_392 = tpu.memref_slice %arg3[%mul3A_2] : memref<2048xi32, #tpu.memory_space<hbm>> -> memref<64xi32, #tpu.memory_space<hbm>>
      tpu.wait_dma2 semaphore(%run_scoped3A : memref<!tpu.dma_semaphore, #tpu.memory_space<semaphore_mem>>) src(%dma_wait3A_392 : memref<64xi32, #tpu.memory_space<hbm>>) dst(%arg11 : memref<64xi32, #tpu.memory_space<vmem>>)
      tpu.yield
    }) : () -> ()
    %dma_start3A_16 = arith.constant 0 : i32
    %dma_start3A_17 = tpu.memref_slice %arg5[%dma_start3A_16] : memref<8192xf32, #tpu.memory_space<hbm>> -> memref<8192xf32, #tpu.memory_space<hbm>>
    tpu.enqueue_indirect_dma source(%dma_start3A_17 : memref<8192xf32, #tpu.memory_space<hbm>>) target(%arg16 : memref<64xf32, #tpu.memory_space<vmem>>) offsets(%arg11 : memref<64xi32, #tpu.memory_space<vmem>>) semaphore(%arg25 : memref<!tpu.dma_semaphore, #tpu.memory_space<semaphore_mem>>)
    %dma_start3A_18 = arith.constant 2 : i32
    %dma_start3A_19 = arith.constant 0 : i32
    %dma_start3A_20 = tpu.memref_slice %arg10[%dma_start3A_18, %dma_start3A_19] : memref<8x8xi32, #tpu.memory_space<vmem>> -> memref<1x8xi32, #tpu.memory_space<vmem>>
    %dma_start3A_21 = tpu.memref_squeeze %dma_start3A_20 : memref<1x8xi32, #tpu.memory_space<vmem>> -> memref<8xi32, #tpu.memory_space<vmem>>
    %dma_start3A_22 = arith.constant 0 : i32
    %dma_start3A_23 = arith.constant 0 : i32
    %dma_start3A_24 = tpu.memref_slice %arg4[%dma_start3A_22, %dma_start3A_23] : memref<8192x2048xf32, #tpu.memory_space<hbm>> -> memref<8192x2048xf32, #tpu.memory_space<hbm>>
    tpu.enqueue_indirect_dma source(%dma_start3A_24 : memref<8192x2048xf32, #tpu.memory_space<hbm>>) target(%arg14 : memref<8x2048xf32, #tpu.memory_space<vmem>>) offsets(%dma_start3A_21 : memref<8xi32, #tpu.memory_space<vmem>>) semaphore(%arg19 : memref<!tpu.dma_semaphore, #tpu.memory_space<semaphore_mem>>)
    %dma_wait3A = arith.constant 0 : i32
    %dma_wait3A_25 = arith.constant 0 : i32
    %dma_wait3A_26 = tpu.memref_slice %arg10[%dma_wait3A, %dma_wait3A_25] : memref<8x8xi32, #tpu.memory_space<vmem>> -> memref<1x8xi32, #tpu.memory_space<vmem>>
    %dma_wait3A_27 = tpu.memref_squeeze %dma_wait3A_26 : memref<1x8xi32, #tpu.memory_space<vmem>> -> memref<8xi32, #tpu.memory_space<vmem>>
    %dma_wait3A_28 = arith.constant 0 : i32
    %dma_wait3A_29 = arith.constant 0 : i32
    %dma_wait3A_30 = tpu.memref_slice %arg4[%dma_wait3A_28, %dma_wait3A_29] : memref<8192x2048xf32, #tpu.memory_space<hbm>> -> memref<8192x2048xf32, #tpu.memory_space<hbm>>
    tpu.wait_indirect_dma semaphore(%arg17 : memref<!tpu.dma_semaphore, #tpu.memory_space<semaphore_mem>>) src(%dma_wait3A_30 : memref<8192x2048xf32, #tpu.memory_space<hbm>>) dst(%arg12 : memref<8x2048xf32, #tpu.memory_space<vmem>>)
    %add3A_31 = arith.constant 0 : i32
    %add3A_32 = arith.addi %mul3A_2, %add3A_31 : i32
    %dma_start3A_33 = arith.constant 0 : i32
    %dma_start3A_34 = tpu.memref_slice %arg7[%add3A_32, %dma_start3A_33] : memref<2048x2048xf32, #tpu.memory_space<hbm>> -> memref<8x2048xf32, #tpu.memory_space<hbm>>
    %dma_start3A_35 = arith.constant 0 : i32
    %dma_start3A_36 = tpu.memref_slice %arg7[%add3A_32, %dma_start3A_35] : memref<2048x2048xf32, #tpu.memory_space<hbm>> -> memref<8x2048xf32, #tpu.memory_space<hbm>>
    tpu.enqueue_dma source(%arg12 : memref<8x2048xf32, #tpu.memory_space<vmem>>) target(%dma_start3A_36 : memref<8x2048xf32, #tpu.memory_space<hbm>>) target_semaphore(%arg21 : memref<!tpu.dma_semaphore, #tpu.memory_space<semaphore_mem>>)
    %dma_start3A_37 = arith.constant 3 : i32
    %dma_start3A_38 = arith.constant 0 : i32
    %dma_start3A_39 = tpu.memref_slice %arg10[%dma_start3A_37, %dma_start3A_38] : memref<8x8xi32, #tpu.memory_space<vmem>> -> memref<1x8xi32, #tpu.memory_space<vmem>>
    %dma_start3A_40 = tpu.memref_squeeze %dma_start3A_39 : memref<1x8xi32, #tpu.memory_space<vmem>> -> memref<8xi32, #tpu.memory_space<vmem>>
    %dma_start3A_41 = arith.constant 0 : i32
    %dma_start3A_42 = arith.constant 0 : i32
    %dma_start3A_43 = tpu.memref_slice %arg4[%dma_start3A_41, %dma_start3A_42] : memref<8192x2048xf32, #tpu.memory_space<hbm>> -> memref<8192x2048xf32, #tpu.memory_space<hbm>>
    tpu.enqueue_indirect_dma source(%dma_start3A_43 : memref<8192x2048xf32, #tpu.memory_space<hbm>>) target(%arg15 : memref<8x2048xf32, #tpu.memory_space<vmem>>) offsets(%dma_start3A_40 : memref<8xi32, #tpu.memory_space<vmem>>) semaphore(%arg20 : memref<!tpu.dma_semaphore, #tpu.memory_space<semaphore_mem>>)
    %dma_wait3A_44 = arith.constant 1 : i32
    %dma_wait3A_45 = arith.constant 0 : i32
    %dma_wait3A_46 = tpu.memref_slice %arg10[%dma_wait3A_44, %dma_wait3A_45] : memref<8x8xi32, #tpu.memory_space<vmem>> -> memref<1x8xi32, #tpu.memory_space<vmem>>
    %dma_wait3A_47 = tpu.memref_squeeze %dma_wait3A_46 : memref<1x8xi32, #tpu.memory_space<vmem>> -> memref<8xi32, #tpu.memory_space<vmem>>
    %dma_wait3A_48 = arith.constant 0 : i32
    %dma_wait3A_49 = arith.constant 0 : i32
    %dma_wait3A_50 = tpu.memref_slice %arg4[%dma_wait3A_48, %dma_wait3A_49] : memref<8192x2048xf32, #tpu.memory_space<hbm>> -> memref<8192x2048xf32, #tpu.memory_space<hbm>>
    tpu.wait_indirect_dma semaphore(%arg18 : memref<!tpu.dma_semaphore, #tpu.memory_space<semaphore_mem>>) src(%dma_wait3A_50 : memref<8192x2048xf32, #tpu.memory_space<hbm>>) dst(%arg13 : memref<8x2048xf32, #tpu.memory_space<vmem>>)
    %add3A_51 = arith.constant 8 : i32
    %add3A_52 = arith.addi %mul3A_2, %add3A_51 : i32
    %dma_start3A_53 = arith.constant 0 : i32
    %dma_start3A_54 = tpu.memref_slice %arg7[%add3A_52, %dma_start3A_53] : memref<2048x2048xf32, #tpu.memory_space<hbm>> -> memref<8x2048xf32, #tpu.memory_space<hbm>>
    %dma_start3A_55 = arith.constant 0 : i32
    %dma_start3A_56 = tpu.memref_slice %arg7[%add3A_52, %dma_start3A_55] : memref<2048x2048xf32, #tpu.memory_space<hbm>> -> memref<8x2048xf32, #tpu.memory_space<hbm>>
    tpu.enqueue_dma source(%arg13 : memref<8x2048xf32, #tpu.memory_space<vmem>>) target(%dma_start3A_56 : memref<8x2048xf32, #tpu.memory_space<hbm>>) target_semaphore(%arg22 : memref<!tpu.dma_semaphore, #tpu.memory_space<semaphore_mem>>)
    %dma_wait3A_57 = arith.constant 0 : i32
    %dma_wait3A_58 = tpu.memref_slice %arg7[%add3A_32, %dma_wait3A_57] : memref<2048x2048xf32, #tpu.memory_space<hbm>> -> memref<8x2048xf32, #tpu.memory_space<hbm>>
    %dma_wait3A_59 = arith.constant 0 : i32
    %dma_wait3A_60 = tpu.memref_slice %arg7[%add3A_32, %dma_wait3A_59] : memref<2048x2048xf32, #tpu.memory_space<hbm>> -> memref<8x2048xf32, #tpu.memory_space<hbm>>
    tpu.wait_dma2 semaphore(%arg21 : memref<!tpu.dma_semaphore, #tpu.memory_space<semaphore_mem>>) src(%arg12 : memref<8x2048xf32, #tpu.memory_space<vmem>>) dst(%dma_wait3A_60 : memref<8x2048xf32, #tpu.memory_space<hbm>>)
    %dma_start3A_61 = arith.constant 4 : i32
    %dma_start3A_62 = arith.constant 0 : i32
    %dma_start3A_63 = tpu.memref_slice %arg10[%dma_start3A_61, %dma_start3A_62] : memref<8x8xi32, #tpu.memory_space<vmem>> -> memref<1x8xi32, #tpu.memory_space<vmem>>
    %dma_start3A_64 = tpu.memref_squeeze %dma_start3A_63 : memref<1x8xi32, #tpu.memory_space<vmem>> -> memref<8xi32, #tpu.memory_space<vmem>>
    %dma_start3A_65 = arith.constant 0 : i32
    %dma_start3A_66 = arith.constant 0 : i32
    %dma_start3A_67 = tpu.memref_slice %arg4[%dma_start3A_65, %dma_start3A_66] : memref<8192x2048xf32, #tpu.memory_space<hbm>> -> memref<8192x2048xf32, #tpu.memory_space<hbm>>
    tpu.enqueue_indirect_dma source(%dma_start3A_67 : memref<8192x2048xf32, #tpu.memory_space<hbm>>) target(%arg12 : memref<8x2048xf32, #tpu.memory_space<vmem>>) offsets(%dma_start3A_64 : memref<8xi32, #tpu.memory_space<vmem>>) semaphore(%arg17 : memref<!tpu.dma_semaphore, #tpu.memory_space<semaphore_mem>>)
    %dma_wait3A_68 = arith.constant 2 : i32
    %dma_wait3A_69 = arith.constant 0 : i32
    %dma_wait3A_70 = tpu.memref_slice %arg10[%dma_wait3A_68, %dma_wait3A_69] : memref<8x8xi32, #tpu.memory_space<vmem>> -> memref<1x8xi32, #tpu.memory_space<vmem>>
    %dma_wait3A_71 = tpu.memref_squeeze %dma_wait3A_70 : memref<1x8xi32, #tpu.memory_space<vmem>> -> memref<8xi32, #tpu.memory_space<vmem>>
    %dma_wait3A_72 = arith.constant 0 : i32
    %dma_wait3A_73 = arith.constant 0 : i32
    %dma_wait3A_74 = tpu.memref_slice %arg4[%dma_wait3A_72, %dma_wait3A_73] : memref<8192x2048xf32, #tpu.memory_space<hbm>> -> memref<8192x2048xf32, #tpu.memory_space<hbm>>
    tpu.wait_indirect_dma semaphore(%arg19 : memref<!tpu.dma_semaphore, #tpu.memory_space<semaphore_mem>>) src(%dma_wait3A_74 : memref<8192x2048xf32, #tpu.memory_space<hbm>>) dst(%arg14 : memref<8x2048xf32, #tpu.memory_space<vmem>>)
    %add3A_75 = arith.constant 16 : i32
    %add3A_76 = arith.addi %mul3A_2, %add3A_75 : i32
    %dma_start3A_77 = arith.constant 0 : i32
    %dma_start3A_78 = tpu.memref_slice %arg7[%add3A_76, %dma_start3A_77] : memref<2048x2048xf32, #tpu.memory_space<hbm>> -> memref<8x2048xf32, #tpu.memory_space<hbm>>
    %dma_start3A_79 = arith.constant 0 : i32
    %dma_start3A_80 = tpu.memref_slice %arg7[%add3A_76, %dma_start3A_79] : memref<2048x2048xf32, #tpu.memory_space<hbm>> -> memref<8x2048xf32, #tpu.memory_space<hbm>>
    tpu.enqueue_dma source(%arg14 : memref<8x2048xf32, #tpu.memory_space<vmem>>) target(%dma_start3A_80 : memref<8x2048xf32, #tpu.memory_space<hbm>>) target_semaphore(%arg23 : memref<!tpu.dma_semaphore, #tpu.memory_space<semaphore_mem>>)
    %dma_wait3A_81 = arith.constant 0 : i32
    %dma_wait3A_82 = tpu.memref_slice %arg7[%add3A_52, %dma_wait3A_81] : memref<2048x2048xf32, #tpu.memory_space<hbm>> -> memref<8x2048xf32, #tpu.memory_space<hbm>>
    %dma_wait3A_83 = arith.constant 0 : i32
    %dma_wait3A_84 = tpu.memref_slice %arg7[%add3A_52, %dma_wait3A_83] : memref<2048x2048xf32, #tpu.memory_space<hbm>> -> memref<8x2048xf32, #tpu.memory_space<hbm>>
    tpu.wait_dma2 semaphore(%arg22 : memref<!tpu.dma_semaphore, #tpu.memory_space<semaphore_mem>>) src(%arg13 : memref<8x2048xf32, #tpu.memory_space<vmem>>) dst(%dma_wait3A_84 : memref<8x2048xf32, #tpu.memory_space<hbm>>)
    %dma_start3A_85 = arith.constant 5 : i32
    %dma_start3A_86 = arith.constant 0 : i32
    %dma_start3A_87 = tpu.memref_slice %arg10[%dma_start3A_85, %dma_start3A_86] : memref<8x8xi32, #tpu.memory_space<vmem>> -> memref<1x8xi32, #tpu.memory_space<vmem>>
    %dma_start3A_88 = tpu.memref_squeeze %dma_start3A_87 : memref<1x8xi32, #tpu.memory_space<vmem>> -> memref<8xi32, #tpu.memory_space<vmem>>
    %dma_start3A_89 = arith.constant 0 : i32
    %dma_start3A_90 = arith.constant 0 : i32
    %dma_start3A_91 = tpu.memref_slice %arg4[%dma_start3A_89, %dma_start3A_90] : memref<8192x2048xf32, #tpu.memory_space<hbm>> -> memref<8192x2048xf32, #tpu.memory_space<hbm>>
    tpu.enqueue_indirect_dma source(%dma_start3A_91 : memref<8192x2048xf32, #tpu.memory_space<hbm>>) target(%arg13 : memref<8x2048xf32, #tpu.memory_space<vmem>>) offsets(%dma_start3A_88 : memref<8xi32, #tpu.memory_space<vmem>>) semaphore(%arg18 : memref<!tpu.dma_semaphore, #tpu.memory_space<semaphore_mem>>)
    %dma_wait3A_92 = arith.constant 3 : i32
    %dma_wait3A_93 = arith.constant 0 : i32
    %dma_wait3A_94 = tpu.memref_slice %arg10[%dma_wait3A_92, %dma_wait3A_93] : memref<8x8xi32, #tpu.memory_space<vmem>> -> memref<1x8xi32, #tpu.memory_space<vmem>>
    %dma_wait3A_95 = tpu.memref_squeeze %dma_wait3A_94 : memref<1x8xi32, #tpu.memory_space<vmem>> -> memref<8xi32, #tpu.memory_space<vmem>>
    %dma_wait3A_96 = arith.constant 0 : i32
    %dma_wait3A_97 = arith.constant 0 : i32
    %dma_wait3A_98 = tpu.memref_slice %arg4[%dma_wait3A_96, %dma_wait3A_97] : memref<8192x2048xf32, #tpu.memory_space<hbm>> -> memref<8192x2048xf32, #tpu.memory_space<hbm>>
    tpu.wait_indirect_dma semaphore(%arg20 : memref<!tpu.dma_semaphore, #tpu.memory_space<semaphore_mem>>) src(%dma_wait3A_98 : memref<8192x2048xf32, #tpu.memory_space<hbm>>) dst(%arg15 : memref<8x2048xf32, #tpu.memory_space<vmem>>)
    %add3A_99 = arith.constant 24 : i32
    %add3A_100 = arith.addi %mul3A_2, %add3A_99 : i32
    %dma_start3A_101 = arith.constant 0 : i32
    %dma_start3A_102 = tpu.memref_slice %arg7[%add3A_100, %dma_start3A_101] : memref<2048x2048xf32, #tpu.memory_space<hbm>> -> memref<8x2048xf32, #tpu.memory_space<hbm>>
    %dma_start3A_103 = arith.constant 0 : i32
    %dma_start3A_104 = tpu.memref_slice %arg7[%add3A_100, %dma_start3A_103] : memref<2048x2048xf32, #tpu.memory_space<hbm>> -> memref<8x2048xf32, #tpu.memory_space<hbm>>
    tpu.enqueue_dma source(%arg15 : memref<8x2048xf32, #tpu.memory_space<vmem>>) target(%dma_start3A_104 : memref<8x2048xf32, #tpu.memory_space<hbm>>) target_semaphore(%arg24 : memref<!tpu.dma_semaphore, #tpu.memory_space<semaphore_mem>>)
    %dma_wait3A_105 = arith.constant 0 : i32
    %dma_wait3A_106 = tpu.memref_slice %arg7[%add3A_76, %dma_wait3A_105] : memref<2048x2048xf32, #tpu.memory_space<hbm>> -> memref<8x2048xf32, #tpu.memory_space<hbm>>
    %dma_wait3A_107 = arith.constant 0 : i32
    %dma_wait3A_108 = tpu.memref_slice %arg7[%add3A_76, %dma_wait3A_107] : memref<2048x2048xf32, #tpu.memory_space<hbm>> -> memref<8x2048xf32, #tpu.memory_space<hbm>>
    tpu.wait_dma2 semaphore(%arg23 : memref<!tpu.dma_semaphore, #tpu.memory_space<semaphore_mem>>) src(%arg14 : memref<8x2048xf32, #tpu.memory_space<vmem>>) dst(%dma_wait3A_108 : memref<8x2048xf32, #tpu.memory_space<hbm>>)
    %dma_start3A_109 = arith.constant 6 : i32
    %dma_start3A_110 = arith.constant 0 : i32
    %dma_start3A_111 = tpu.memref_slice %arg10[%dma_start3A_109, %dma_start3A_110] : memref<8x8xi32, #tpu.memory_space<vmem>> -> memref<1x8xi32, #tpu.memory_space<vmem>>
    %dma_start3A_112 = tpu.memref_squeeze %dma_start3A_111 : memref<1x8xi32, #tpu.memory_space<vmem>> -> memref<8xi32, #tpu.memory_space<vmem>>
    %dma_start3A_113 = arith.constant 0 : i32
    %dma_start3A_114 = arith.constant 0 : i32
    %dma_start3A_115 = tpu.memref_slice %arg4[%dma_start3A_113, %dma_start3A_114] : memref<8192x2048xf32, #tpu.memory_space<hbm>> -> memref<8192x2048xf32, #tpu.memory_space<hbm>>
    tpu.enqueue_indirect_dma source(%dma_start3A_115 : memref<8192x2048xf32, #tpu.memory_space<hbm>>) target(%arg14 : memref<8x2048xf32, #tpu.memory_space<vmem>>) offsets(%dma_start3A_112 : memref<8xi32, #tpu.memory_space<vmem>>) semaphore(%arg19 : memref<!tpu.dma_semaphore, #tpu.memory_space<semaphore_mem>>)
    %dma_wait3A_116 = arith.constant 4 : i32
    %dma_wait3A_117 = arith.constant 0 : i32
    %dma_wait3A_118 = tpu.memref_slice %arg10[%dma_wait3A_116, %dma_wait3A_117] : memref<8x8xi32, #tpu.memory_space<vmem>> -> memref<1x8xi32, #tpu.memory_space<vmem>>
    %dma_wait3A_119 = tpu.memref_squeeze %dma_wait3A_118 : memref<1x8xi32, #tpu.memory_space<vmem>> -> memref<8xi32, #tpu.memory_space<vmem>>
    %dma_wait3A_120 = arith.constant 0 : i32
    %dma_wait3A_121 = arith.constant 0 : i32
    %dma_wait3A_122 = tpu.memref_slice %arg4[%dma_wait3A_120, %dma_wait3A_121] : memref<8192x2048xf32, #tpu.memory_space<hbm>> -> memref<8192x2048xf32, #tpu.memory_space<hbm>>
    tpu.wait_indirect_dma semaphore(%arg17 : memref<!tpu.dma_semaphore, #tpu.memory_space<semaphore_mem>>) src(%dma_wait3A_122 : memref<8192x2048xf32, #tpu.memory_space<hbm>>) dst(%arg12 : memref<8x2048xf32, #tpu.memory_space<vmem>>)
    %add3A_123 = arith.constant 32 : i32
    %add3A_124 = arith.addi %mul3A_2, %add3A_123 : i32
    %dma_start3A_125 = arith.constant 0 : i32
    %dma_start3A_126 = tpu.memref_slice %arg7[%add3A_124, %dma_start3A_125] : memref<2048x2048xf32, #tpu.memory_space<hbm>> -> memref<8x2048xf32, #tpu.memory_space<hbm>>
    %dma_start3A_127 = arith.constant 0 : i32
    %dma_start3A_128 = tpu.memref_slice %arg7[%add3A_124, %dma_start3A_127] : memref<2048x2048xf32, #tpu.memory_space<hbm>> -> memref<8x2048xf32, #tpu.memory_space<hbm>>
    tpu.enqueue_dma source(%arg12 : memref<8x2048xf32, #tpu.memory_space<vmem>>) target(%dma_start3A_128 : memref<8x2048xf32, #tpu.memory_space<hbm>>) target_semaphore(%arg21 : memref<!tpu.dma_semaphore, #tpu.memory_space<semaphore_mem>>)
    %dma_wait3A_129 = arith.constant 0 : i32
    %dma_wait3A_130 = tpu.memref_slice %arg7[%add3A_100, %dma_wait3A_129] : memref<2048x2048xf32, #tpu.memory_space<hbm>> -> memref<8x2048xf32, #tpu.memory_space<hbm>>
    %dma_wait3A_131 = arith.constant 0 : i32
    %dma_wait3A_132 = tpu.memref_slice %arg7[%add3A_100, %dma_wait3A_131] : memref<2048x2048xf32, #tpu.memory_space<hbm>> -> memref<8x2048xf32, #tpu.memory_space<hbm>>
    tpu.wait_dma2 semaphore(%arg24 : memref<!tpu.dma_semaphore, #tpu.memory_space<semaphore_mem>>) src(%arg15 : memref<8x2048xf32, #tpu.memory_space<vmem>>) dst(%dma_wait3A_132 : memref<8x2048xf32, #tpu.memory_space<hbm>>)
    %dma_start3A_133 = arith.constant 7 : i32
    %dma_start3A_134 = arith.constant 0 : i32
    %dma_start3A_135 = tpu.memref_slice %arg10[%dma_start3A_133, %dma_start3A_134] : memref<8x8xi32, #tpu.memory_space<vmem>> -> memref<1x8xi32, #tpu.memory_space<vmem>>
    %dma_start3A_136 = tpu.memref_squeeze %dma_start3A_135 : memref<1x8xi32, #tpu.memory_space<vmem>> -> memref<8xi32, #tpu.memory_space<vmem>>
    %dma_start3A_137 = arith.constant 0 : i32
    %dma_start3A_138 = arith.constant 0 : i32
    %dma_start3A_139 = tpu.memref_slice %arg4[%dma_start3A_137, %dma_start3A_138] : memref<8192x2048xf32, #tpu.memory_space<hbm>> -> memref<8192x2048xf32, #tpu.memory_space<hbm>>
    tpu.enqueue_indirect_dma source(%dma_start3A_139 : memref<8192x2048xf32, #tpu.memory_space<hbm>>) target(%arg15 : memref<8x2048xf32, #tpu.memory_space<vmem>>) offsets(%dma_start3A_136 : memref<8xi32, #tpu.memory_space<vmem>>) semaphore(%arg20 : memref<!tpu.dma_semaphore, #tpu.memory_space<semaphore_mem>>)
    %dma_wait3A_140 = arith.constant 5 : i32
    %dma_wait3A_141 = arith.constant 0 : i32
    %dma_wait3A_142 = tpu.memref_slice %arg10[%dma_wait3A_140, %dma_wait3A_141] : memref<8x8xi32, #tpu.memory_space<vmem>> -> memref<1x8xi32, #tpu.memory_space<vmem>>
    %dma_wait3A_143 = tpu.memref_squeeze %dma_wait3A_142 : memref<1x8xi32, #tpu.memory_space<vmem>> -> memref<8xi32, #tpu.memory_space<vmem>>
    %dma_wait3A_144 = arith.constant 0 : i32
    %dma_wait3A_145 = arith.constant 0 : i32
    %dma_wait3A_146 = tpu.memref_slice %arg4[%dma_wait3A_144, %dma_wait3A_145] : memref<8192x2048xf32, #tpu.memory_space<hbm>> -> memref<8192x2048xf32, #tpu.memory_space<hbm>>
    tpu.wait_indirect_dma semaphore(%arg18 : memref<!tpu.dma_semaphore, #tpu.memory_space<semaphore_mem>>) src(%dma_wait3A_146 : memref<8192x2048xf32, #tpu.memory_space<hbm>>) dst(%arg13 : memref<8x2048xf32, #tpu.memory_space<vmem>>)
    %add3A_147 = arith.constant 40 : i32
    %add3A_148 = arith.addi %mul3A_2, %add3A_147 : i32
    %dma_start3A_149 = arith.constant 0 : i32
    %dma_start3A_150 = tpu.memref_slice %arg7[%add3A_148, %dma_start3A_149] : memref<2048x2048xf32, #tpu.memory_space<hbm>> -> memref<8x2048xf32, #tpu.memory_space<hbm>>
    %dma_start3A_151 = arith.constant 0 : i32
    %dma_start3A_152 = tpu.memref_slice %arg7[%add3A_148, %dma_start3A_151] : memref<2048x2048xf32, #tpu.memory_space<hbm>> -> memref<8x2048xf32, #tpu.memory_space<hbm>>
    tpu.enqueue_dma source(%arg13 : memref<8x2048xf32, #tpu.memory_space<vmem>>) target(%dma_start3A_152 : memref<8x2048xf32, #tpu.memory_space<hbm>>) target_semaphore(%arg22 : memref<!tpu.dma_semaphore, #tpu.memory_space<semaphore_mem>>)
    %dma_wait3A_153 = arith.constant 0 : i32
    %dma_wait3A_154 = tpu.memref_slice %arg7[%add3A_124, %dma_wait3A_153] : memref<2048x2048xf32, #tpu.memory_space<hbm>> -> memref<8x2048xf32, #tpu.memory_space<hbm>>
    %dma_wait3A_155 = arith.constant 0 : i32
    %dma_wait3A_156 = tpu.memref_slice %arg7[%add3A_124, %dma_wait3A_155] : memref<2048x2048xf32, #tpu.memory_space<hbm>> -> memref<8x2048xf32, #tpu.memory_space<hbm>>
    tpu.wait_dma2 semaphore(%arg21 : memref<!tpu.dma_semaphore, #tpu.memory_space<semaphore_mem>>) src(%arg12 : memref<8x2048xf32, #tpu.memory_space<vmem>>) dst(%dma_wait3A_156 : memref<8x2048xf32, #tpu.memory_space<hbm>>)
    %dma_start3A_157 = arith.constant 0 : i32
    %dma_start3A_158 = arith.constant 0 : i32
    %dma_start3A_159 = tpu.memref_slice %arg10[%dma_start3A_157, %dma_start3A_158] : memref<8x8xi32, #tpu.memory_space<vmem>> -> memref<1x8xi32, #tpu.memory_space<vmem>>
    %dma_start3A_160 = tpu.memref_squeeze %dma_start3A_159 : memref<1x8xi32, #tpu.memory_space<vmem>> -> memref<8xi32, #tpu.memory_space<vmem>>
    %dma_start3A_161 = arith.constant 0 : i32
    %dma_start3A_162 = arith.constant 0 : i32
    %dma_start3A_163 = tpu.memref_slice %arg6[%dma_start3A_161, %dma_start3A_162] : memref<8192x2048xf32, #tpu.memory_space<hbm>> -> memref<8192x2048xf32, #tpu.memory_space<hbm>>
    tpu.enqueue_indirect_dma source(%dma_start3A_163 : memref<8192x2048xf32, #tpu.memory_space<hbm>>) target(%arg12 : memref<8x2048xf32, #tpu.memory_space<vmem>>) offsets(%dma_start3A_160 : memref<8xi32, #tpu.memory_space<vmem>>) semaphore(%arg17 : memref<!tpu.dma_semaphore, #tpu.memory_space<semaphore_mem>>)
    %dma_wait3A_164 = arith.constant 6 : i32
    %dma_wait3A_165 = arith.constant 0 : i32
    %dma_wait3A_166 = tpu.memref_slice %arg10[%dma_wait3A_164, %dma_wait3A_165] : memref<8x8xi32, #tpu.memory_space<vmem>> -> memref<1x8xi32, #tpu.memory_space<vmem>>
    %dma_wait3A_167 = tpu.memref_squeeze %dma_wait3A_166 : memref<1x8xi32, #tpu.memory_space<vmem>> -> memref<8xi32, #tpu.memory_space<vmem>>
    %dma_wait3A_168 = arith.constant 0 : i32
    %dma_wait3A_169 = arith.constant 0 : i32
    %dma_wait3A_170 = tpu.memref_slice %arg4[%dma_wait3A_168, %dma_wait3A_169] : memref<8192x2048xf32, #tpu.memory_space<hbm>> -> memref<8192x2048xf32, #tpu.memory_space<hbm>>
    tpu.wait_indirect_dma semaphore(%arg19 : memref<!tpu.dma_semaphore, #tpu.memory_space<semaphore_mem>>) src(%dma_wait3A_170 : memref<8192x2048xf32, #tpu.memory_space<hbm>>) dst(%arg14 : memref<8x2048xf32, #tpu.memory_space<vmem>>)
    %add3A_171 = arith.constant 48 : i32
    %add3A_172 = arith.addi %mul3A_2, %add3A_171 : i32
    %dma_start3A_173 = arith.constant 0 : i32
    %dma_start3A_174 = tpu.memref_slice %arg7[%add3A_172, %dma_start3A_173] : memref<2048x2048xf32, #tpu.memory_space<hbm>> -> memref<8x2048xf32, #tpu.memory_space<hbm>>
    %dma_start3A_175 = arith.constant 0 : i32
    %dma_start3A_176 = tpu.memref_slice %arg7[%add3A_172, %dma_start3A_175] : memref<2048x2048xf32, #tpu.memory_space<hbm>> -> memref<8x2048xf32, #tpu.memory_space<hbm>>
    tpu.enqueue_dma source(%arg14 : memref<8x2048xf32, #tpu.memory_space<vmem>>) target(%dma_start3A_176 : memref<8x2048xf32, #tpu.memory_space<hbm>>) target_semaphore(%arg23 : memref<!tpu.dma_semaphore, #tpu.memory_space<semaphore_mem>>)
    %dma_wait3A_177 = arith.constant 0 : i32
    %dma_wait3A_178 = tpu.memref_slice %arg7[%add3A_148, %dma_wait3A_177] : memref<2048x2048xf32, #tpu.memory_space<hbm>> -> memref<8x2048xf32, #tpu.memory_space<hbm>>
    %dma_wait3A_179 = arith.constant 0 : i32
    %dma_wait3A_180 = tpu.memref_slice %arg7[%add3A_148, %dma_wait3A_179] : memref<2048x2048xf32, #tpu.memory_space<hbm>> -> memref<8x2048xf32, #tpu.memory_space<hbm>>
    tpu.wait_dma2 semaphore(%arg22 : memref<!tpu.dma_semaphore, #tpu.memory_space<semaphore_mem>>) src(%arg13 : memref<8x2048xf32, #tpu.memory_space<vmem>>) dst(%dma_wait3A_180 : memref<8x2048xf32, #tpu.memory_space<hbm>>)
    %dma_start3A_181 = arith.constant 1 : i32
    %dma_start3A_182 = arith.constant 0 : i32
    %dma_start3A_183 = tpu.memref_slice %arg10[%dma_start3A_181, %dma_start3A_182] : memref<8x8xi32, #tpu.memory_space<vmem>> -> memref<1x8xi32, #tpu.memory_space<vmem>>
    %dma_start3A_184 = tpu.memref_squeeze %dma_start3A_183 : memref<1x8xi32, #tpu.memory_space<vmem>> -> memref<8xi32, #tpu.memory_space<vmem>>
    %dma_start3A_185 = arith.constant 0 : i32
    %dma_start3A_186 = arith.constant 0 : i32
    %dma_start3A_187 = tpu.memref_slice %arg6[%dma_start3A_185, %dma_start3A_186] : memref<8192x2048xf32, #tpu.memory_space<hbm>> -> memref<8192x2048xf32, #tpu.memory_space<hbm>>
    tpu.enqueue_indirect_dma source(%dma_start3A_187 : memref<8192x2048xf32, #tpu.memory_space<hbm>>) target(%arg13 : memref<8x2048xf32, #tpu.memory_space<vmem>>) offsets(%dma_start3A_184 : memref<8xi32, #tpu.memory_space<vmem>>) semaphore(%arg18 : memref<!tpu.dma_semaphore, #tpu.memory_space<semaphore_mem>>)
    %dma_wait3A_188 = arith.constant 7 : i32
    %dma_wait3A_189 = arith.constant 0 : i32
    %dma_wait3A_190 = tpu.memref_slice %arg10[%dma_wait3A_188, %dma_wait3A_189] : memref<8x8xi32, #tpu.memory_space<vmem>> -> memref<1x8xi32, #tpu.memory_space<vmem>>
    %dma_wait3A_191 = tpu.memref_squeeze %dma_wait3A_190 : memref<1x8xi32, #tpu.memory_space<vmem>> -> memref<8xi32, #tpu.memory_space<vmem>>
    %dma_wait3A_192 = arith.constant 0 : i32
    %dma_wait3A_193 = arith.constant 0 : i32
    %dma_wait3A_194 = tpu.memref_slice %arg4[%dma_wait3A_192, %dma_wait3A_193] : memref<8192x2048xf32, #tpu.memory_space<hbm>> -> memref<8192x2048xf32, #tpu.memory_space<hbm>>
    tpu.wait_indirect_dma semaphore(%arg20 : memref<!tpu.dma_semaphore, #tpu.memory_space<semaphore_mem>>) src(%dma_wait3A_194 : memref<8192x2048xf32, #tpu.memory_space<hbm>>) dst(%arg15 : memref<8x2048xf32, #tpu.memory_space<vmem>>)
    %add3A_195 = arith.constant 56 : i32
    %add3A_196 = arith.addi %mul3A_2, %add3A_195 : i32
    %dma_start3A_197 = arith.constant 0 : i32
    %dma_start3A_198 = tpu.memref_slice %arg7[%add3A_196, %dma_start3A_197] : memref<2048x2048xf32, #tpu.memory_space<hbm>> -> memref<8x2048xf32, #tpu.memory_space<hbm>>
    %dma_start3A_199 = arith.constant 0 : i32
    %dma_start3A_200 = tpu.memref_slice %arg7[%add3A_196, %dma_start3A_199] : memref<2048x2048xf32, #tpu.memory_space<hbm>> -> memref<8x2048xf32, #tpu.memory_space<hbm>>
    tpu.enqueue_dma source(%arg15 : memref<8x2048xf32, #tpu.memory_space<vmem>>) target(%dma_start3A_200 : memref<8x2048xf32, #tpu.memory_space<hbm>>) target_semaphore(%arg24 : memref<!tpu.dma_semaphore, #tpu.memory_space<semaphore_mem>>)
    %dma_wait3A_201 = arith.constant 0 : i32
    %dma_wait3A_202 = tpu.memref_slice %arg7[%add3A_172, %dma_wait3A_201] : memref<2048x2048xf32, #tpu.memory_space<hbm>> -> memref<8x2048xf32, #tpu.memory_space<hbm>>
    %dma_wait3A_203 = arith.constant 0 : i32
    %dma_wait3A_204 = tpu.memref_slice %arg7[%add3A_172, %dma_wait3A_203] : memref<2048x2048xf32, #tpu.memory_space<hbm>> -> memref<8x2048xf32, #tpu.memory_space<hbm>>
    tpu.wait_dma2 semaphore(%arg23 : memref<!tpu.dma_semaphore, #tpu.memory_space<semaphore_mem>>) src(%arg14 : memref<8x2048xf32, #tpu.memory_space<vmem>>) dst(%dma_wait3A_204 : memref<8x2048xf32, #tpu.memory_space<hbm>>)
    %dma_start3A_205 = arith.constant 2 : i32
    %dma_start3A_206 = arith.constant 0 : i32
    %dma_start3A_207 = tpu.memref_slice %arg10[%dma_start3A_205, %dma_start3A_206] : memref<8x8xi32, #tpu.memory_space<vmem>> -> memref<1x8xi32, #tpu.memory_space<vmem>>
    %dma_start3A_208 = tpu.memref_squeeze %dma_start3A_207 : memref<1x8xi32, #tpu.memory_space<vmem>> -> memref<8xi32, #tpu.memory_space<vmem>>
    %dma_start3A_209 = arith.constant 0 : i32
    %dma_start3A_210 = arith.constant 0 : i32
    %dma_start3A_211 = tpu.memref_slice %arg6[%dma_start3A_209, %dma_start3A_210] : memref<8192x2048xf32, #tpu.memory_space<hbm>> -> memref<8192x2048xf32, #tpu.memory_space<hbm>>
    tpu.enqueue_indirect_dma source(%dma_start3A_211 : memref<8192x2048xf32, #tpu.memory_space<hbm>>) target(%arg14 : memref<8x2048xf32, #tpu.memory_space<vmem>>) offsets(%dma_start3A_208 : memref<8xi32, #tpu.memory_space<vmem>>) semaphore(%arg19 : memref<!tpu.dma_semaphore, #tpu.memory_space<semaphore_mem>>)
    %dma_wait3A_212 = arith.constant 0 : i32
    %dma_wait3A_213 = arith.constant 0 : i32
    %dma_wait3A_214 = tpu.memref_slice %arg10[%dma_wait3A_212, %dma_wait3A_213] : memref<8x8xi32, #tpu.memory_space<vmem>> -> memref<1x8xi32, #tpu.memory_space<vmem>>
    %dma_wait3A_215 = tpu.memref_squeeze %dma_wait3A_214 : memref<1x8xi32, #tpu.memory_space<vmem>> -> memref<8xi32, #tpu.memory_space<vmem>>
    %dma_wait3A_216 = arith.constant 0 : i32
    %dma_wait3A_217 = arith.constant 0 : i32
    %dma_wait3A_218 = tpu.memref_slice %arg6[%dma_wait3A_216, %dma_wait3A_217] : memref<8192x2048xf32, #tpu.memory_space<hbm>> -> memref<8192x2048xf32, #tpu.memory_space<hbm>>
    tpu.wait_indirect_dma semaphore(%arg17 : memref<!tpu.dma_semaphore, #tpu.memory_space<semaphore_mem>>) src(%dma_wait3A_218 : memref<8192x2048xf32, #tpu.memory_space<hbm>>) dst(%arg12 : memref<8x2048xf32, #tpu.memory_space<vmem>>)
    %add3A_219 = arith.constant 0 : i32
    %add3A_220 = arith.addi %mul3A_2, %add3A_219 : i32
    %dma_start3A_221 = arith.constant 0 : i32
    %dma_start3A_222 = tpu.memref_slice %arg9[%add3A_220, %dma_start3A_221] : memref<2048x2048xf32, #tpu.memory_space<hbm>> -> memref<8x2048xf32, #tpu.memory_space<hbm>>
    %dma_start3A_223 = arith.constant 0 : i32
    %dma_start3A_224 = tpu.memref_slice %arg9[%add3A_220, %dma_start3A_223] : memref<2048x2048xf32, #tpu.memory_space<hbm>> -> memref<8x2048xf32, #tpu.memory_space<hbm>>
    tpu.enqueue_dma source(%arg12 : memref<8x2048xf32, #tpu.memory_space<vmem>>) target(%dma_start3A_224 : memref<8x2048xf32, #tpu.memory_space<hbm>>) target_semaphore(%arg21 : memref<!tpu.dma_semaphore, #tpu.memory_space<semaphore_mem>>)
    %dma_wait3A_225 = arith.constant 0 : i32
    %dma_wait3A_226 = tpu.memref_slice %arg7[%add3A_196, %dma_wait3A_225] : memref<2048x2048xf32, #tpu.memory_space<hbm>> -> memref<8x2048xf32, #tpu.memory_space<hbm>>
    %dma_wait3A_227 = arith.constant 0 : i32
    %dma_wait3A_228 = tpu.memref_slice %arg7[%add3A_196, %dma_wait3A_227] : memref<2048x2048xf32, #tpu.memory_space<hbm>> -> memref<8x2048xf32, #tpu.memory_space<hbm>>
    tpu.wait_dma2 semaphore(%arg24 : memref<!tpu.dma_semaphore, #tpu.memory_space<semaphore_mem>>) src(%arg15 : memref<8x2048xf32, #tpu.memory_space<vmem>>) dst(%dma_wait3A_228 : memref<8x2048xf32, #tpu.memory_space<hbm>>)
    %dma_start3A_229 = arith.constant 3 : i32
    %dma_start3A_230 = arith.constant 0 : i32
    %dma_start3A_231 = tpu.memref_slice %arg10[%dma_start3A_229, %dma_start3A_230] : memref<8x8xi32, #tpu.memory_space<vmem>> -> memref<1x8xi32, #tpu.memory_space<vmem>>
    %dma_start3A_232 = tpu.memref_squeeze %dma_start3A_231 : memref<1x8xi32, #tpu.memory_space<vmem>> -> memref<8xi32, #tpu.memory_space<vmem>>
    %dma_start3A_233 = arith.constant 0 : i32
    %dma_start3A_234 = arith.constant 0 : i32
    %dma_start3A_235 = tpu.memref_slice %arg6[%dma_start3A_233, %dma_start3A_234] : memref<8192x2048xf32, #tpu.memory_space<hbm>> -> memref<8192x2048xf32, #tpu.memory_space<hbm>>
    tpu.enqueue_indirect_dma source(%dma_start3A_235 : memref<8192x2048xf32, #tpu.memory_space<hbm>>) target(%arg15 : memref<8x2048xf32, #tpu.memory_space<vmem>>) offsets(%dma_start3A_232 : memref<8xi32, #tpu.memory_space<vmem>>) semaphore(%arg20 : memref<!tpu.dma_semaphore, #tpu.memory_space<semaphore_mem>>)
    %dma_wait3A_236 = arith.constant 1 : i32
    %dma_wait3A_237 = arith.constant 0 : i32
    %dma_wait3A_238 = tpu.memref_slice %arg10[%dma_wait3A_236, %dma_wait3A_237] : memref<8x8xi32, #tpu.memory_space<vmem>> -> memref<1x8xi32, #tpu.memory_space<vmem>>
    %dma_wait3A_239 = tpu.memref_squeeze %dma_wait3A_238 : memref<1x8xi32, #tpu.memory_space<vmem>> -> memref<8xi32, #tpu.memory_space<vmem>>
    %dma_wait3A_240 = arith.constant 0 : i32
    %dma_wait3A_241 = arith.constant 0 : i32
    %dma_wait3A_242 = tpu.memref_slice %arg6[%dma_wait3A_240, %dma_wait3A_241] : memref<8192x2048xf32, #tpu.memory_space<hbm>> -> memref<8192x2048xf32, #tpu.memory_space<hbm>>
    tpu.wait_indirect_dma semaphore(%arg18 : memref<!tpu.dma_semaphore, #tpu.memory_space<semaphore_mem>>) src(%dma_wait3A_242 : memref<8192x2048xf32, #tpu.memory_space<hbm>>) dst(%arg13 : memref<8x2048xf32, #tpu.memory_space<vmem>>)
    %add3A_243 = arith.constant 8 : i32
    %add3A_244 = arith.addi %mul3A_2, %add3A_243 : i32
    %dma_start3A_245 = arith.constant 0 : i32
    %dma_start3A_246 = tpu.memref_slice %arg9[%add3A_244, %dma_start3A_245] : memref<2048x2048xf32, #tpu.memory_space<hbm>> -> memref<8x2048xf32, #tpu.memory_space<hbm>>
    %dma_start3A_247 = arith.constant 0 : i32
    %dma_start3A_248 = tpu.memref_slice %arg9[%add3A_244, %dma_start3A_247] : memref<2048x2048xf32, #tpu.memory_space<hbm>> -> memref<8x2048xf32, #tpu.memory_space<hbm>>
    tpu.enqueue_dma source(%arg13 : memref<8x2048xf32, #tpu.memory_space<vmem>>) target(%dma_start3A_248 : memref<8x2048xf32, #tpu.memory_space<hbm>>) target_semaphore(%arg22 : memref<!tpu.dma_semaphore, #tpu.memory_space<semaphore_mem>>)
    %dma_wait3A_249 = arith.constant 0 : i32
    %dma_wait3A_250 = tpu.memref_slice %arg9[%add3A_220, %dma_wait3A_249] : memref<2048x2048xf32, #tpu.memory_space<hbm>> -> memref<8x2048xf32, #tpu.memory_space<hbm>>
    %dma_wait3A_251 = arith.constant 0 : i32
    %dma_wait3A_252 = tpu.memref_slice %arg9[%add3A_220, %dma_wait3A_251] : memref<2048x2048xf32, #tpu.memory_space<hbm>> -> memref<8x2048xf32, #tpu.memory_space<hbm>>
    tpu.wait_dma2 semaphore(%arg21 : memref<!tpu.dma_semaphore, #tpu.memory_space<semaphore_mem>>) src(%arg12 : memref<8x2048xf32, #tpu.memory_space<vmem>>) dst(%dma_wait3A_252 : memref<8x2048xf32, #tpu.memory_space<hbm>>)
    %dma_start3A_253 = arith.constant 4 : i32
    %dma_start3A_254 = arith.constant 0 : i32
    %dma_start3A_255 = tpu.memref_slice %arg10[%dma_start3A_253, %dma_start3A_254] : memref<8x8xi32, #tpu.memory_space<vmem>> -> memref<1x8xi32, #tpu.memory_space<vmem>>
    %dma_start3A_256 = tpu.memref_squeeze %dma_start3A_255 : memref<1x8xi32, #tpu.memory_space<vmem>> -> memref<8xi32, #tpu.memory_space<vmem>>
    %dma_start3A_257 = arith.constant 0 : i32
    %dma_start3A_258 = arith.constant 0 : i32
    %dma_start3A_259 = tpu.memref_slice %arg6[%dma_start3A_257, %dma_start3A_258] : memref<8192x2048xf32, #tpu.memory_space<hbm>> -> memref<8192x2048xf32, #tpu.memory_space<hbm>>
    tpu.enqueue_indirect_dma source(%dma_start3A_259 : memref<8192x2048xf32, #tpu.memory_space<hbm>>) target(%arg12 : memref<8x2048xf32, #tpu.memory_space<vmem>>) offsets(%dma_start3A_256 : memref<8xi32, #tpu.memory_space<vmem>>) semaphore(%arg17 : memref<!tpu.dma_semaphore, #tpu.memory_space<semaphore_mem>>)
    %dma_wait3A_260 = arith.constant 2 : i32
    %dma_wait3A_261 = arith.constant 0 : i32
    %dma_wait3A_262 = tpu.memref_slice %arg10[%dma_wait3A_260, %dma_wait3A_261] : memref<8x8xi32, #tpu.memory_space<vmem>> -> memref<1x8xi32, #tpu.memory_space<vmem>>
    %dma_wait3A_263 = tpu.memref_squeeze %dma_wait3A_262 : memref<1x8xi32, #tpu.memory_space<vmem>> -> memref<8xi32, #tpu.memory_space<vmem>>
    %dma_wait3A_264 = arith.constant 0 : i32
    %dma_wait3A_265 = arith.constant 0 : i32
    %dma_wait3A_266 = tpu.memref_slice %arg6[%dma_wait3A_264, %dma_wait3A_265] : memref<8192x2048xf32, #tpu.memory_space<hbm>> -> memref<8192x2048xf32, #tpu.memory_space<hbm>>
    tpu.wait_indirect_dma semaphore(%arg19 : memref<!tpu.dma_semaphore, #tpu.memory_space<semaphore_mem>>) src(%dma_wait3A_266 : memref<8192x2048xf32, #tpu.memory_space<hbm>>) dst(%arg14 : memref<8x2048xf32, #tpu.memory_space<vmem>>)
    %add3A_267 = arith.constant 16 : i32
    %add3A_268 = arith.addi %mul3A_2, %add3A_267 : i32
    %dma_start3A_269 = arith.constant 0 : i32
    %dma_start3A_270 = tpu.memref_slice %arg9[%add3A_268, %dma_start3A_269] : memref<2048x2048xf32, #tpu.memory_space<hbm>> -> memref<8x2048xf32, #tpu.memory_space<hbm>>
    %dma_start3A_271 = arith.constant 0 : i32
    %dma_start3A_272 = tpu.memref_slice %arg9[%add3A_268, %dma_start3A_271] : memref<2048x2048xf32, #tpu.memory_space<hbm>> -> memref<8x2048xf32, #tpu.memory_space<hbm>>
    tpu.enqueue_dma source(%arg14 : memref<8x2048xf32, #tpu.memory_space<vmem>>) target(%dma_start3A_272 : memref<8x2048xf32, #tpu.memory_space<hbm>>) target_semaphore(%arg23 : memref<!tpu.dma_semaphore, #tpu.memory_space<semaphore_mem>>)
    %dma_wait3A_273 = arith.constant 0 : i32
    %dma_wait3A_274 = tpu.memref_slice %arg9[%add3A_244, %dma_wait3A_273] : memref<2048x2048xf32, #tpu.memory_space<hbm>> -> memref<8x2048xf32, #tpu.memory_space<hbm>>
    %dma_wait3A_275 = arith.constant 0 : i32
    %dma_wait3A_276 = tpu.memref_slice %arg9[%add3A_244, %dma_wait3A_275] : memref<2048x2048xf32, #tpu.memory_space<hbm>> -> memref<8x2048xf32, #tpu.memory_space<hbm>>
    tpu.wait_dma2 semaphore(%arg22 : memref<!tpu.dma_semaphore, #tpu.memory_space<semaphore_mem>>) src(%arg13 : memref<8x2048xf32, #tpu.memory_space<vmem>>) dst(%dma_wait3A_276 : memref<8x2048xf32, #tpu.memory_space<hbm>>)
    %dma_start3A_277 = arith.constant 5 : i32
    %dma_start3A_278 = arith.constant 0 : i32
    %dma_start3A_279 = tpu.memref_slice %arg10[%dma_start3A_277, %dma_start3A_278] : memref<8x8xi32, #tpu.memory_space<vmem>> -> memref<1x8xi32, #tpu.memory_space<vmem>>
    %dma_start3A_280 = tpu.memref_squeeze %dma_start3A_279 : memref<1x8xi32, #tpu.memory_space<vmem>> -> memref<8xi32, #tpu.memory_space<vmem>>
    %dma_start3A_281 = arith.constant 0 : i32
    %dma_start3A_282 = arith.constant 0 : i32
    %dma_start3A_283 = tpu.memref_slice %arg6[%dma_start3A_281, %dma_start3A_282] : memref<8192x2048xf32, #tpu.memory_space<hbm>> -> memref<8192x2048xf32, #tpu.memory_space<hbm>>
    tpu.enqueue_indirect_dma source(%dma_start3A_283 : memref<8192x2048xf32, #tpu.memory_space<hbm>>) target(%arg13 : memref<8x2048xf32, #tpu.memory_space<vmem>>) offsets(%dma_start3A_280 : memref<8xi32, #tpu.memory_space<vmem>>) semaphore(%arg18 : memref<!tpu.dma_semaphore, #tpu.memory_space<semaphore_mem>>)
    %dma_wait3A_284 = arith.constant 3 : i32
    %dma_wait3A_285 = arith.constant 0 : i32
    %dma_wait3A_286 = tpu.memref_slice %arg10[%dma_wait3A_284, %dma_wait3A_285] : memref<8x8xi32, #tpu.memory_space<vmem>> -> memref<1x8xi32, #tpu.memory_space<vmem>>
    %dma_wait3A_287 = tpu.memref_squeeze %dma_wait3A_286 : memref<1x8xi32, #tpu.memory_space<vmem>> -> memref<8xi32, #tpu.memory_space<vmem>>
    %dma_wait3A_288 = arith.constant 0 : i32
    %dma_wait3A_289 = arith.constant 0 : i32
    %dma_wait3A_290 = tpu.memref_slice %arg6[%dma_wait3A_288, %dma_wait3A_289] : memref<8192x2048xf32, #tpu.memory_space<hbm>> -> memref<8192x2048xf32, #tpu.memory_space<hbm>>
    tpu.wait_indirect_dma semaphore(%arg20 : memref<!tpu.dma_semaphore, #tpu.memory_space<semaphore_mem>>) src(%dma_wait3A_290 : memref<8192x2048xf32, #tpu.memory_space<hbm>>) dst(%arg15 : memref<8x2048xf32, #tpu.memory_space<vmem>>)
    %add3A_291 = arith.constant 24 : i32
    %add3A_292 = arith.addi %mul3A_2, %add3A_291 : i32
    %dma_start3A_293 = arith.constant 0 : i32
    %dma_start3A_294 = tpu.memref_slice %arg9[%add3A_292, %dma_start3A_293] : memref<2048x2048xf32, #tpu.memory_space<hbm>> -> memref<8x2048xf32, #tpu.memory_space<hbm>>
    %dma_start3A_295 = arith.constant 0 : i32
    %dma_start3A_296 = tpu.memref_slice %arg9[%add3A_292, %dma_start3A_295] : memref<2048x2048xf32, #tpu.memory_space<hbm>> -> memref<8x2048xf32, #tpu.memory_space<hbm>>
    tpu.enqueue_dma source(%arg15 : memref<8x2048xf32, #tpu.memory_space<vmem>>) target(%dma_start3A_296 : memref<8x2048xf32, #tpu.memory_space<hbm>>) target_semaphore(%arg24 : memref<!tpu.dma_semaphore, #tpu.memory_space<semaphore_mem>>)
    %dma_wait3A_297 = arith.constant 0 : i32
    %dma_wait3A_298 = tpu.memref_slice %arg9[%add3A_268, %dma_wait3A_297] : memref<2048x2048xf32, #tpu.memory_space<hbm>> -> memref<8x2048xf32, #tpu.memory_space<hbm>>
    %dma_wait3A_299 = arith.constant 0 : i32
    %dma_wait3A_300 = tpu.memref_slice %arg9[%add3A_268, %dma_wait3A_299] : memref<2048x2048xf32, #tpu.memory_space<hbm>> -> memref<8x2048xf32, #tpu.memory_space<hbm>>
    tpu.wait_dma2 semaphore(%arg23 : memref<!tpu.dma_semaphore, #tpu.memory_space<semaphore_mem>>) src(%arg14 : memref<8x2048xf32, #tpu.memory_space<vmem>>) dst(%dma_wait3A_300 : memref<8x2048xf32, #tpu.memory_space<hbm>>)
    %dma_start3A_301 = arith.constant 6 : i32
    %dma_start3A_302 = arith.constant 0 : i32
    %dma_start3A_303 = tpu.memref_slice %arg10[%dma_start3A_301, %dma_start3A_302] : memref<8x8xi32, #tpu.memory_space<vmem>> -> memref<1x8xi32, #tpu.memory_space<vmem>>
    %dma_start3A_304 = tpu.memref_squeeze %dma_start3A_303 : memref<1x8xi32, #tpu.memory_space<vmem>> -> memref<8xi32, #tpu.memory_space<vmem>>
    %dma_start3A_305 = arith.constant 0 : i32
    %dma_start3A_306 = arith.constant 0 : i32
    %dma_start3A_307 = tpu.memref_slice %arg6[%dma_start3A_305, %dma_start3A_306] : memref<8192x2048xf32, #tpu.memory_space<hbm>> -> memref<8192x2048xf32, #tpu.memory_space<hbm>>
    tpu.enqueue_indirect_dma source(%dma_start3A_307 : memref<8192x2048xf32, #tpu.memory_space<hbm>>) target(%arg14 : memref<8x2048xf32, #tpu.memory_space<vmem>>) offsets(%dma_start3A_304 : memref<8xi32, #tpu.memory_space<vmem>>) semaphore(%arg19 : memref<!tpu.dma_semaphore, #tpu.memory_space<semaphore_mem>>)
    %dma_wait3A_308 = arith.constant 4 : i32
    %dma_wait3A_309 = arith.constant 0 : i32
    %dma_wait3A_310 = tpu.memref_slice %arg10[%dma_wait3A_308, %dma_wait3A_309] : memref<8x8xi32, #tpu.memory_space<vmem>> -> memref<1x8xi32, #tpu.memory_space<vmem>>
    %dma_wait3A_311 = tpu.memref_squeeze %dma_wait3A_310 : memref<1x8xi32, #tpu.memory_space<vmem>> -> memref<8xi32, #tpu.memory_space<vmem>>
    %dma_wait3A_312 = arith.constant 0 : i32
    %dma_wait3A_313 = arith.constant 0 : i32
    %dma_wait3A_314 = tpu.memref_slice %arg6[%dma_wait3A_312, %dma_wait3A_313] : memref<8192x2048xf32, #tpu.memory_space<hbm>> -> memref<8192x2048xf32, #tpu.memory_space<hbm>>
    tpu.wait_indirect_dma semaphore(%arg17 : memref<!tpu.dma_semaphore, #tpu.memory_space<semaphore_mem>>) src(%dma_wait3A_314 : memref<8192x2048xf32, #tpu.memory_space<hbm>>) dst(%arg12 : memref<8x2048xf32, #tpu.memory_space<vmem>>)
    %add3A_315 = arith.constant 32 : i32
    %add3A_316 = arith.addi %mul3A_2, %add3A_315 : i32
    %dma_start3A_317 = arith.constant 0 : i32
    %dma_start3A_318 = tpu.memref_slice %arg9[%add3A_316, %dma_start3A_317] : memref<2048x2048xf32, #tpu.memory_space<hbm>> -> memref<8x2048xf32, #tpu.memory_space<hbm>>
    %dma_start3A_319 = arith.constant 0 : i32
    %dma_start3A_320 = tpu.memref_slice %arg9[%add3A_316, %dma_start3A_319] : memref<2048x2048xf32, #tpu.memory_space<hbm>> -> memref<8x2048xf32, #tpu.memory_space<hbm>>
    tpu.enqueue_dma source(%arg12 : memref<8x2048xf32, #tpu.memory_space<vmem>>) target(%dma_start3A_320 : memref<8x2048xf32, #tpu.memory_space<hbm>>) target_semaphore(%arg21 : memref<!tpu.dma_semaphore, #tpu.memory_space<semaphore_mem>>)
    %dma_wait3A_321 = arith.constant 0 : i32
    %dma_wait3A_322 = tpu.memref_slice %arg9[%add3A_292, %dma_wait3A_321] : memref<2048x2048xf32, #tpu.memory_space<hbm>> -> memref<8x2048xf32, #tpu.memory_space<hbm>>
    %dma_wait3A_323 = arith.constant 0 : i32
    %dma_wait3A_324 = tpu.memref_slice %arg9[%add3A_292, %dma_wait3A_323] : memref<2048x2048xf32, #tpu.memory_space<hbm>> -> memref<8x2048xf32, #tpu.memory_space<hbm>>
    tpu.wait_dma2 semaphore(%arg24 : memref<!tpu.dma_semaphore, #tpu.memory_space<semaphore_mem>>) src(%arg15 : memref<8x2048xf32, #tpu.memory_space<vmem>>) dst(%dma_wait3A_324 : memref<8x2048xf32, #tpu.memory_space<hbm>>)
    %dma_start3A_325 = arith.constant 7 : i32
    %dma_start3A_326 = arith.constant 0 : i32
    %dma_start3A_327 = tpu.memref_slice %arg10[%dma_start3A_325, %dma_start3A_326] : memref<8x8xi32, #tpu.memory_space<vmem>> -> memref<1x8xi32, #tpu.memory_space<vmem>>
    %dma_start3A_328 = tpu.memref_squeeze %dma_start3A_327 : memref<1x8xi32, #tpu.memory_space<vmem>> -> memref<8xi32, #tpu.memory_space<vmem>>
    %dma_start3A_329 = arith.constant 0 : i32
    %dma_start3A_330 = arith.constant 0 : i32
    %dma_start3A_331 = tpu.memref_slice %arg6[%dma_start3A_329, %dma_start3A_330] : memref<8192x2048xf32, #tpu.memory_space<hbm>> -> memref<8192x2048xf32, #tpu.memory_space<hbm>>
    tpu.enqueue_indirect_dma source(%dma_start3A_331 : memref<8192x2048xf32, #tpu.memory_space<hbm>>) target(%arg15 : memref<8x2048xf32, #tpu.memory_space<vmem>>) offsets(%dma_start3A_328 : memref<8xi32, #tpu.memory_space<vmem>>) semaphore(%arg20 : memref<!tpu.dma_semaphore, #tpu.memory_space<semaphore_mem>>)
    %dma_wait3A_332 = arith.constant 5 : i32
    %dma_wait3A_333 = arith.constant 0 : i32
    %dma_wait3A_334 = tpu.memref_slice %arg10[%dma_wait3A_332, %dma_wait3A_333] : memref<8x8xi32, #tpu.memory_space<vmem>> -> memref<1x8xi32, #tpu.memory_space<vmem>>
    %dma_wait3A_335 = tpu.memref_squeeze %dma_wait3A_334 : memref<1x8xi32, #tpu.memory_space<vmem>> -> memref<8xi32, #tpu.memory_space<vmem>>
    %dma_wait3A_336 = arith.constant 0 : i32
    %dma_wait3A_337 = arith.constant 0 : i32
    %dma_wait3A_338 = tpu.memref_slice %arg6[%dma_wait3A_336, %dma_wait3A_337] : memref<8192x2048xf32, #tpu.memory_space<hbm>> -> memref<8192x2048xf32, #tpu.memory_space<hbm>>
    tpu.wait_indirect_dma semaphore(%arg18 : memref<!tpu.dma_semaphore, #tpu.memory_space<semaphore_mem>>) src(%dma_wait3A_338 : memref<8192x2048xf32, #tpu.memory_space<hbm>>) dst(%arg13 : memref<8x2048xf32, #tpu.memory_space<vmem>>)
    %add3A_339 = arith.constant 40 : i32
    %add3A_340 = arith.addi %mul3A_2, %add3A_339 : i32
    %dma_start3A_341 = arith.constant 0 : i32
    %dma_start3A_342 = tpu.memref_slice %arg9[%add3A_340, %dma_start3A_341] : memref<2048x2048xf32, #tpu.memory_space<hbm>> -> memref<8x2048xf32, #tpu.memory_space<hbm>>
    %dma_start3A_343 = arith.constant 0 : i32
    %dma_start3A_344 = tpu.memref_slice %arg9[%add3A_340, %dma_start3A_343] : memref<2048x2048xf32, #tpu.memory_space<hbm>> -> memref<8x2048xf32, #tpu.memory_space<hbm>>
    tpu.enqueue_dma source(%arg13 : memref<8x2048xf32, #tpu.memory_space<vmem>>) target(%dma_start3A_344 : memref<8x2048xf32, #tpu.memory_space<hbm>>) target_semaphore(%arg22 : memref<!tpu.dma_semaphore, #tpu.memory_space<semaphore_mem>>)
    %dma_wait3A_345 = arith.constant 6 : i32
    %dma_wait3A_346 = arith.constant 0 : i32
    %dma_wait3A_347 = tpu.memref_slice %arg10[%dma_wait3A_345, %dma_wait3A_346] : memref<8x8xi32, #tpu.memory_space<vmem>> -> memref<1x8xi32, #tpu.memory_space<vmem>>
    %dma_wait3A_348 = tpu.memref_squeeze %dma_wait3A_347 : memref<1x8xi32, #tpu.memory_space<vmem>> -> memref<8xi32, #tpu.memory_space<vmem>>
    %dma_wait3A_349 = arith.constant 0 : i32
    %dma_wait3A_350 = arith.constant 0 : i32
    %dma_wait3A_351 = tpu.memref_slice %arg6[%dma_wait3A_349, %dma_wait3A_350] : memref<8192x2048xf32, #tpu.memory_space<hbm>> -> memref<8192x2048xf32, #tpu.memory_space<hbm>>
    tpu.wait_indirect_dma semaphore(%arg19 : memref<!tpu.dma_semaphore, #tpu.memory_space<semaphore_mem>>) src(%dma_wait3A_351 : memref<8192x2048xf32, #tpu.memory_space<hbm>>) dst(%arg14 : memref<8x2048xf32, #tpu.memory_space<vmem>>)
    %add3A_352 = arith.constant 48 : i32
    %add3A_353 = arith.addi %mul3A_2, %add3A_352 : i32
    %dma_start3A_354 = arith.constant 0 : i32
    %dma_start3A_355 = tpu.memref_slice %arg9[%add3A_353, %dma_start3A_354] : memref<2048x2048xf32, #tpu.memory_space<hbm>> -> memref<8x2048xf32, #tpu.memory_space<hbm>>
    %dma_start3A_356 = arith.constant 0 : i32
    %dma_start3A_357 = tpu.memref_slice %arg9[%add3A_353, %dma_start3A_356] : memref<2048x2048xf32, #tpu.memory_space<hbm>> -> memref<8x2048xf32, #tpu.memory_space<hbm>>
    tpu.enqueue_dma source(%arg14 : memref<8x2048xf32, #tpu.memory_space<vmem>>) target(%dma_start3A_357 : memref<8x2048xf32, #tpu.memory_space<hbm>>) target_semaphore(%arg23 : memref<!tpu.dma_semaphore, #tpu.memory_space<semaphore_mem>>)
    %dma_wait3A_358 = arith.constant 7 : i32
    %dma_wait3A_359 = arith.constant 0 : i32
    %dma_wait3A_360 = tpu.memref_slice %arg10[%dma_wait3A_358, %dma_wait3A_359] : memref<8x8xi32, #tpu.memory_space<vmem>> -> memref<1x8xi32, #tpu.memory_space<vmem>>
    %dma_wait3A_361 = tpu.memref_squeeze %dma_wait3A_360 : memref<1x8xi32, #tpu.memory_space<vmem>> -> memref<8xi32, #tpu.memory_space<vmem>>
    %dma_wait3A_362 = arith.constant 0 : i32
    %dma_wait3A_363 = arith.constant 0 : i32
    %dma_wait3A_364 = tpu.memref_slice %arg6[%dma_wait3A_362, %dma_wait3A_363] : memref<8192x2048xf32, #tpu.memory_space<hbm>> -> memref<8192x2048xf32, #tpu.memory_space<hbm>>
    tpu.wait_indirect_dma semaphore(%arg20 : memref<!tpu.dma_semaphore, #tpu.memory_space<semaphore_mem>>) src(%dma_wait3A_364 : memref<8192x2048xf32, #tpu.memory_space<hbm>>) dst(%arg15 : memref<8x2048xf32, #tpu.memory_space<vmem>>)
    %add3A_365 = arith.constant 56 : i32
    %add3A_366 = arith.addi %mul3A_2, %add3A_365 : i32
    %dma_start3A_367 = arith.constant 0 : i32
    %dma_start3A_368 = tpu.memref_slice %arg9[%add3A_366, %dma_start3A_367] : memref<2048x2048xf32, #tpu.memory_space<hbm>> -> memref<8x2048xf32, #tpu.memory_space<hbm>>
    %dma_start3A_369 = arith.constant 0 : i32
    %dma_start3A_370 = tpu.memref_slice %arg9[%add3A_366, %dma_start3A_369] : memref<2048x2048xf32, #tpu.memory_space<hbm>> -> memref<8x2048xf32, #tpu.memory_space<hbm>>
    tpu.enqueue_dma source(%arg15 : memref<8x2048xf32, #tpu.memory_space<vmem>>) target(%dma_start3A_370 : memref<8x2048xf32, #tpu.memory_space<hbm>>) target_semaphore(%arg24 : memref<!tpu.dma_semaphore, #tpu.memory_space<semaphore_mem>>)
    %dma_wait3A_371 = arith.constant 0 : i32
    %dma_wait3A_372 = tpu.memref_slice %arg9[%add3A_316, %dma_wait3A_371] : memref<2048x2048xf32, #tpu.memory_space<hbm>> -> memref<8x2048xf32, #tpu.memory_space<hbm>>
    %dma_wait3A_373 = arith.constant 0 : i32
    %dma_wait3A_374 = tpu.memref_slice %arg9[%add3A_316, %dma_wait3A_373] : memref<2048x2048xf32, #tpu.memory_space<hbm>> -> memref<8x2048xf32, #tpu.memory_space<hbm>>
    tpu.wait_dma2 semaphore(%arg21 : memref<!tpu.dma_semaphore, #tpu.memory_space<semaphore_mem>>) src(%arg12 : memref<8x2048xf32, #tpu.memory_space<vmem>>) dst(%dma_wait3A_374 : memref<8x2048xf32, #tpu.memory_space<hbm>>)
    %dma_wait3A_375 = arith.constant 0 : i32
    %dma_wait3A_376 = tpu.memref_slice %arg9[%add3A_340, %dma_wait3A_375] : memref<2048x2048xf32, #tpu.memory_space<hbm>> -> memref<8x2048xf32, #tpu.memory_space<hbm>>
    %dma_wait3A_377 = arith.constant 0 : i32
    %dma_wait3A_378 = tpu.memref_slice %arg9[%add3A_340, %dma_wait3A_377] : memref<2048x2048xf32, #tpu.memory_space<hbm>> -> memref<8x2048xf32, #tpu.memory_space<hbm>>
    tpu.wait_dma2 semaphore(%arg22 : memref<!tpu.dma_semaphore, #tpu.memory_space<semaphore_mem>>) src(%arg13 : memref<8x2048xf32, #tpu.memory_space<vmem>>) dst(%dma_wait3A_378 : memref<8x2048xf32, #tpu.memory_space<hbm>>)
    %dma_wait3A_379 = arith.constant 0 : i32
    %dma_wait3A_380 = tpu.memref_slice %arg9[%add3A_353, %dma_wait3A_379] : memref<2048x2048xf32, #tpu.memory_space<hbm>> -> memref<8x2048xf32, #tpu.memory_space<hbm>>
    %dma_wait3A_381 = arith.constant 0 : i32
    %dma_wait3A_382 = tpu.memref_slice %arg9[%add3A_353, %dma_wait3A_381] : memref<2048x2048xf32, #tpu.memory_space<hbm>> -> memref<8x2048xf32, #tpu.memory_space<hbm>>
    tpu.wait_dma2 semaphore(%arg23 : memref<!tpu.dma_semaphore, #tpu.memory_space<semaphore_mem>>) src(%arg14 : memref<8x2048xf32, #tpu.memory_space<vmem>>) dst(%dma_wait3A_382 : memref<8x2048xf32, #tpu.memory_space<hbm>>)
    %dma_wait3A_383 = arith.constant 0 : i32
    %dma_wait3A_384 = tpu.memref_slice %arg9[%add3A_366, %dma_wait3A_383] : memref<2048x2048xf32, #tpu.memory_space<hbm>> -> memref<8x2048xf32, #tpu.memory_space<hbm>>
    %dma_wait3A_385 = arith.constant 0 : i32
    %dma_wait3A_386 = tpu.memref_slice %arg9[%add3A_366, %dma_wait3A_385] : memref<2048x2048xf32, #tpu.memory_space<hbm>> -> memref<8x2048xf32, #tpu.memory_space<hbm>>
    tpu.wait_dma2 semaphore(%arg24 : memref<!tpu.dma_semaphore, #tpu.memory_space<semaphore_mem>>) src(%arg15 : memref<8x2048xf32, #tpu.memory_space<vmem>>) dst(%dma_wait3A_386 : memref<8x2048xf32, #tpu.memory_space<hbm>>)
    %dma_wait3A_387 = arith.constant 0 : i32
    %dma_wait3A_388 = tpu.memref_slice %arg5[%dma_wait3A_387] : memref<8192xf32, #tpu.memory_space<hbm>> -> memref<8192xf32, #tpu.memory_space<hbm>>
    tpu.wait_indirect_dma semaphore(%arg25 : memref<!tpu.dma_semaphore, #tpu.memory_space<semaphore_mem>>) src(%dma_wait3A_388 : memref<8192xf32, #tpu.memory_space<hbm>>) dst(%arg16 : memref<64xf32, #tpu.memory_space<vmem>>)
    "tpu.region"() ({
      %run_scoped3A = tpu.sem_alloc : memref<!tpu.dma_semaphore, #tpu.memory_space<semaphore_mem>>
      %dma_start3A_389 = tpu.memref_slice %arg8[%mul3A_2] : memref<2048xf32, #tpu.memory_space<hbm>> -> memref<64xf32, #tpu.memory_space<hbm>>
      %dma_start3A_390 = tpu.memref_slice %arg8[%mul3A_2] : memref<2048xf32, #tpu.memory_space<hbm>> -> memref<64xf32, #tpu.memory_space<hbm>>
      tpu.enqueue_dma source(%arg16 : memref<64xf32, #tpu.memory_space<vmem>>) target(%dma_start3A_390 : memref<64xf32, #tpu.memory_space<hbm>>) target_semaphore(%run_scoped3A : memref<!tpu.dma_semaphore, #tpu.memory_space<semaphore_mem>>)
      %dma_wait3A_391 = tpu.memref_slice %arg8[%mul3A_2] : memref<2048xf32, #tpu.memory_space<hbm>> -> memref<64xf32, #tpu.memory_space<hbm>>
      %dma_wait3A_392 = tpu.memref_slice %arg8[%mul3A_2] : memref<2048xf32, #tpu.memory_space<hbm>> -> memref<64xf32, #tpu.memory_space<hbm>>
      tpu.wait_dma2 semaphore(%run_scoped3A : memref<!tpu.dma_semaphore, #tpu.memory_space<semaphore_mem>>) src(%arg16 : memref<64xf32, #tpu.memory_space<vmem>>) dst(%dma_wait3A_392 : memref<64xf32, #tpu.memory_space<hbm>>)
      tpu.yield
    }) : () -> ()
    return
  }
}

module attributes {stable_mosaic.version = 14 : i64} {
  func.func @_mlp_body(%arg0: i32, %arg1: memref<1x2048xf32, #tpu.memory_space<vmem>>, %arg2: memref<1x2048xf32, #tpu.memory_space<vmem>>, %arg3: memref<512x2048xf32, #tpu.memory_space<vmem>>, %arg4: memref<2048x2048xf32, #tpu.memory_space<vmem>>, %arg5: memref<2048x2048xf32, #tpu.memory_space<vmem>>, %arg6: memref<512x2048xf32, #tpu.memory_space<vmem>>) attributes {dimension_semantics = [#tpu.dimension_semantics<parallel>], iteration_bounds = array<i64: 16>, scalar_prefetch = 0 : i64, scratch_operands = 0 : i64, tpu.core_type = #tpu.core_type<tc>, window_params = [{pipeline_mode = #tpu.pipeline_mode<synchronous>, transform_indices = @transform_0, window_bounds = array<i64: 1, 2048>}, {pipeline_mode = #tpu.pipeline_mode<synchronous>, transform_indices = @transform_1, window_bounds = array<i64: 1, 2048>}, {transform_indices = @transform_2, window_bounds = array<i64: 512, 2048>}, {pipeline_mode = #tpu.pipeline_mode<synchronous>, transform_indices = @transform_3, window_bounds = array<i64: 2048, 2048>}, {pipeline_mode = #tpu.pipeline_mode<synchronous>, transform_indices = @transform_4, window_bounds = array<i64: 2048, 2048>}, {transform_indices = @transform_5, window_bounds = array<i64: 512, 2048>}]} {
    %get3A = arith.constant 0 : index
    %get3A_0 = arith.constant 0 : index
    %get3A_1 = vector.load %arg3[%get3A, %get3A_0] : memref<512x2048xf32, #tpu.memory_space<vmem>>, vector<512x2048xf32>
    %get3A_2 = arith.constant 0 : index
    %get3A_3 = arith.constant 0 : index
    %get3A_4 = vector.load %arg4[%get3A_2, %get3A_3] : memref<2048x2048xf32, #tpu.memory_space<vmem>>, vector<2048x2048xf32>
    %dot_general3A = arith.constant dense<0.000000e+00> : vector<512x2048xf32>
    %dot_general3A_5 = tpu.matmul %get3A_1, %get3A_4, %dot_general3A {dimension_numbers = #tpu.dot_dimension_numbers<[1], [1], [0], [0], [0, 0, 1, 0], [], []>, transpose_lhs_hint = false} : vector<512x2048xf32>, vector<2048x2048xf32>, vector<512x2048xf32> -> vector<512x2048xf32>
    %get3A_6 = arith.constant 0 : index
    %get3A_7 = arith.constant 0 : index
    %get3A_8 = vector.load %arg1[%get3A_6, %get3A_7] : memref<1x2048xf32, #tpu.memory_space<vmem>>, vector<1x2048xf32>
    %add3A = vector.broadcast %get3A_8 : vector<1x2048xf32> to vector<512x2048xf32>
    %add3A_9 = arith.addf %dot_general3A_5, %add3A : vector<512x2048xf32>
    %max3A = arith.constant 0.000000e+00 : f32
    %max3A_10 = vector.broadcast %max3A : f32 to vector<512x2048xf32>
    %max3A_11 = arith.maximumf %add3A_9, %max3A_10 : vector<512x2048xf32>
    %get3A_12 = arith.constant 0 : index
    %get3A_13 = arith.constant 0 : index
    %get3A_14 = vector.load %arg5[%get3A_12, %get3A_13] : memref<2048x2048xf32, #tpu.memory_space<vmem>>, vector<2048x2048xf32>
    %dot_general3A_15 = arith.constant dense<0.000000e+00> : vector<512x2048xf32>
    %dot_general3A_16 = tpu.matmul %max3A_11, %get3A_14, %dot_general3A_15 {dimension_numbers = #tpu.dot_dimension_numbers<[1], [0], [0], [1], [0, 0, 1, 1], [], []>, transpose_lhs_hint = false} : vector<512x2048xf32>, vector<2048x2048xf32>, vector<512x2048xf32> -> vector<512x2048xf32>
    %get3A_17 = arith.constant 0 : index
    %get3A_18 = arith.constant 0 : index
    %get3A_19 = vector.load %arg2[%get3A_17, %get3A_18] : memref<1x2048xf32, #tpu.memory_space<vmem>>, vector<1x2048xf32>
    %add3A_20 = vector.broadcast %get3A_19 : vector<1x2048xf32> to vector<512x2048xf32>
    %add3A_21 = arith.addf %dot_general3A_16, %add3A_20 : vector<512x2048xf32>
    %swap3A = arith.constant 0 : index
    %swap3A_22 = arith.constant 0 : index
    %swap3A_23 = vector.load %arg6[%swap3A, %swap3A_22] : memref<512x2048xf32, #tpu.memory_space<vmem>>, vector<512x2048xf32>
    tpu.vector_store %arg6[%swap3A, %swap3A_22], %add3A_21 {strides = array<i32>} : memref<512x2048xf32, #tpu.memory_space<vmem>>, vector<512x2048xf32>,
    return
  }
  func.func @transform_0(%arg0: i32) -> (i32, i32) {
    %c0_i32 = arith.constant 0 : i32
    %c0_i32_0 = arith.constant 0 : i32
    %c0_i32_1 = arith.constant 0 : i32
    return %c0_i32, %c0_i32_0 : i32, i32
  }
  func.func @transform_1(%arg0: i32) -> (i32, i32) {
    %c0_i32 = arith.constant 0 : i32
    %c0_i32_0 = arith.constant 0 : i32
    %c0_i32_1 = arith.constant 0 : i32
    return %c0_i32, %c0_i32_0 : i32, i32
  }
  func.func @transform_2(%arg0: i32) -> (i32, i32) {
    %c0_i32 = arith.constant 0 : i32
    %c0_i32_0 = arith.constant 0 : i32
    return %arg0, %c0_i32 : i32, i32
  }
  func.func @transform_3(%arg0: i32) -> (i32, i32) {
    %c0_i32 = arith.constant 0 : i32
    %c0_i32_0 = arith.constant 0 : i32
    %c0_i32_1 = arith.constant 0 : i32
    return %c0_i32, %c0_i32_0 : i32, i32
  }
  func.func @transform_4(%arg0: i32) -> (i32, i32) {
    %c0_i32 = arith.constant 0 : i32
    %c0_i32_0 = arith.constant 0 : i32
    %c0_i32_1 = arith.constant 0 : i32
    return %c0_i32, %c0_i32_0 : i32, i32
  }
  func.func @transform_5(%arg0: i32) -> (i32, i32) {
    %c0_i32 = arith.constant 0 : i32
    %c0_i32_0 = arith.constant 0 : i32
    return %arg0, %c0_i32 : i32, i32
  }
}

</mosaic_0001>

<sc_bundles>
// kernel: kernel.4.cloned.1.call-start
scs
__scs_entry_jumppad:
0x0: {  	(pc) =	sbr.rel $0x88, $3  }
0x1: {  	(tag) =	ssettag $0x0;
	lr =	simm.s32 $0x1  }
0x2: {  	[smem:$0x3F9B] =	sst lr;
	_ =	strace $0xD0000000  }
0x3: {  	_ = 	snop  }
0x4: {  	_ = 	snop  }
0x5: {  	_ = 	snop  }
0x6: {  	_ = 	snop  }
0x7: {  	_ = 	snop  }
__scs_overlays_trampoline_lowered:
0x8: {  	[smem:$0x3FAA] =	sst s0  }
0x9: {  	[smem:$0x3FAB] =	sst s1  }
0xa: {  	[smem:$0x3FAC] =	sst s2  }
0xb: {  	[smem:$0x3FAD] =	sst s3  }
0xc: {  	[smem:$0x3FAE] =	sst s4  }
0xd: {  	[smem:$0x3FAF] =	sst s5  }
0xe: {  	[smem:$0x3FB0] =	sst s6  }
0xf: {  	[smem:$0x3FB1] =	sst s7  }
0x10: {  	[smem:$0x3FB2] =	sst s8  }
0x11: {  	[smem:$0x3FB3] =	sst s9;
	s0 =	simm.s32 @!p0 $0x0  }
0x12: {  	s1 =	sld [smem:$0x3F99];
	s0 =	simm.s32 @p0 $0x1  }
0x13: {  	[smem:$0x3FB4] =	sst s0;
	s0 =	simm.s32 @!p1 $0x0  }
0x14: {  	s2 =	sld [smem:$0x3F98];
	s0 =	simm.s32 @p1 $0x1  }
0x15: {  	[smem:$0x3FB5] =	sst s0;
	s0 =	simm.s32 @!p2 $0x0  }
0x16: {  	s3 =	sld [smem:$0x3FDB];
	s0 =	simm.s32 @p2 $0x1  }
0x17: {  	s4 =	simm.s32 $0x1BF5;
	[smem:$0x3FB7] =	sst s0  }
0x18: {  	s0 =	sld [smem:$0x3F9A];
	_ =	swait.ge [sflag:s4], $0x0  }
0x19: {  	s7 =	sld [smem:$0x3F9B]  }
0x1a: {  	s8 =	sadd.s32 $0xFFFFE003, lr  }
0x1b: {  	s9 =	sadd.s32 $0xFFFFFEF7, lr;
	s5 =	simm.s32 $0xFFFFFFFF;
	p2 =	slt.u32 s8, $0xFFFFF086  }
0x1c: {  	p1 =	slt.u32 s9, $0xF7A;
	s5 =	simm.s32 @!p2 $0x0  }
0x1d: {  	s5 =	simm.s32 @p1 $0x1;
	p0 =	seq.s32 s7, s2  }
0x1e: {  	s7 =	smul.u32 @!p0 $0xF7A, s2;
	p2 =	seq.s32 @!p0 s5, $0x0  }
0x1f: {  	s9 =	smul.u32 $0xF7A, s1;
	s8 =	simm.s32 @!p0 $0x1BF5;
	p2 =	por !p2, p0  }
0x20: {  	[sflag:s8] =	ssyncset.s32 @!p0 $0xFFFFF086;
	s6 =	sadd.s32 @!p0 s3, s7;
	s7 =	simm.s32 @!p0 $0x108  }
0x21: {  	s3 =	sadd.s32 s3, s9;
	s6 =	sadd.s32 @!p0 $0x88, s6;
	s7 =	simm.s32 @p2 $0x1082  }
0x22: {  	[simem:s7], [sflag:s8] =	dma.local @!p0 [hbm:s6], $0xF7A  }
0x23: {  	s9 =	sor.u32 $0xD0000000, s2;
	s6 =	simm.s32 $0x108;
	_ =	swait.ge @!p0 [sflag:s8], $0x0  }
0x24: {  	s3 =	sadd.s32 $0x88, s3;
	s6 =	simm.s32 @!p1 $0x1082;
	[sflag:s4] =	ssyncset.s32 $0xFFFFF086  }
0x25: {  	[simem:s6], [sflag:s4] =	dma.local [hbm:s3], $0xF7A  }
0x26: {  	[smem:$0x3F9B] =	sst s1;
	(tag) =	ssettag s2;
	_ =	strace s9  }
0x27: {  	s1 =	sld [smem:$0x3FAB]  }
0x28: {  	s2 =	sld [smem:$0x3FAC]  }
0x29: {  	s4 =	sld [smem:$0x3FAE]  }
0x2a: {  	p0 =	seq.s32 s5, $0x0;
	s5 =	sld [smem:$0x3FAF]  }
0x2b: {  	s6 =	sld [smem:$0x3FB0]  }
0x2c: {  	s7 =	sld [smem:$0x3FB1]  }
0x2d: {  	s3 =	simm.s32 $0x108;
	s8 =	sld [smem:$0x3FB2]  }
0x2e: {  	s3 =	simm.s32 @!p0 $0x1082;
	s9 =	sld [smem:$0x3FB3]  }
0x2f: {  	lr =	sadd.s32 s0, s3;
	s0 =	sld [smem:$0x3FAA]  }
0x30: {  	s3 =	sld [smem:$0x3FAD]  }
0x31: {  	[smem:$0x3FB6] =	sst s10  }
0x32: {  	s10 =	sld [smem:$0x3FB4];
	_ =	sdelay $0x3  }
0x33: {  	p0 =	seq.s32 s10, $0x1;
	s10 =	sld [smem:$0x3FB6];
	_ =	sdelay $0x3  }
0x34: {  	[smem:$0x3FB6] =	sst s10  }
0x35: {  	s10 =	sld [smem:$0x3FB5];
	_ =	sdelay $0x3  }
0x36: {  	p1 =	seq.s32 s10, $0x1;
	s10 =	sld [smem:$0x3FB6];
	_ =	sdelay $0x3  }
0x37: {  	[smem:$0x3FB6] =	sst s10  }
0x38: {  	s10 =	sld [smem:$0x3FB7]  }
0x39: {  	_ = 	snop;
	(pc) =	sbr.ind lr, $3  }
0x3a: {  	_ = 	snop  }
0x3b: {  	_ = 	snop  }
0x3c: {  	p2 =	seq.s32 s10, $0x1;
	s10 =	sld [smem:$0x3FB6]  }
0x3d: {  	_ =	shalt  }
0x3e: {  	_ =	shalt  }
0x3f: {  	_ =	shalt  }
0x40: {  	_ =	shalt  }
0x41: {  	_ =	shalt  }
0x42: {  	_ =	shalt  }
0x43: {  	_ =	shalt  }
0x44: {  	_ =	shalt  }
0x45: {  	_ =	shalt  }
0x46: {  	_ =	shalt  }
0x47: {  	_ =	shalt  }
0x48: {  	_ =	shalt  }
0x49: {  	_ =	shalt  }
0x4a: {  	_ =	shalt  }
0x4b: {  	_ =	shalt  }
0x4c: {  	_ =	shalt  }
0x4d: {  	_ =	shalt  }
0x4e: {  	_ =	shalt  }
0x4f: {  	_ =	shalt  }
0x50: {  	_ =	shalt  }
0x51: {  	_ =	shalt  }
0x52: {  	_ =	shalt  }
0x53: {  	_ =	shalt  }
0x54: {  	_ =	shalt  }
0x55: {  	_ =	shalt  }
0x56: {  	_ =	shalt  }
0x57: {  	_ =	shalt  }
0x58: {  	_ =	shalt  }
0x59: {  	_ =	shalt  }
0x5a: {  	_ =	shalt  }
0x5b: {  	_ =	shalt  }
0x5c: {  	_ =	shalt  }
0x5d: {  	_ =	shalt  }
0x5e: {  	_ =	shalt  }
0x5f: {  	_ =	shalt  }
0x60: {  	_ =	shalt  }
0x61: {  	_ =	shalt  }
0x62: {  	_ =	shalt  }
0x63: {  	_ =	shalt  }
0x64: {  	_ =	shalt  }
0x65: {  	_ =	shalt  }
0x66: {  	_ =	shalt  }
0x67: {  	_ =	shalt  }
0x68: {  	_ =	shalt  }
0x69: {  	_ =	shalt  }
0x6a: {  	_ =	shalt  }
0x6b: {  	_ =	shalt  }
0x6c: {  	_ =	shalt  }
0x6d: {  	_ =	shalt  }
0x6e: {  	_ =	shalt  }
0x6f: {  	_ =	shalt  }
0x70: {  	_ =	shalt  }
0x71: {  	_ =	shalt  }
0x72: {  	_ =	shalt  }
0x73: {  	_ =	shalt  }
0x74: {  	_ =	shalt  }
0x75: {  	_ =	shalt  }
0x76: {  	_ =	shalt  }
0x77: {  	_ =	shalt  }
0x78: {  	_ =	shalt  }
0x79: {  	_ =	shalt  }
0x7a: {  	_ =	shalt  }
0x7b: {  	_ =	shalt  }
0x7c: {  	_ =	shalt  }
0x7d: {  	_ =	shalt  }
0x7e: {  	_ =	shalt  }
0x7f: {  	_ =	shalt  }
0x80: {  	_ =	shalt  }
0x81: {  	_ =	shalt  }
0x82: {  	_ =	shalt  }
0x83: {  	_ =	shalt  }
0x84: {  	_ =	shalt  }
0x85: {  	_ =	shalt  }
0x86: {  	_ =	shalt  }
0x87: {  	_ =	shalt  }
.Lfunc_end0:
.L_simem_size_0:
called_computation_lowered:
.L_overlay_start_0:
0x88: {  	s2 =	sld [smem:$0x3FD9]  }
0x89: {  	s3 =	sld [smem:$0x3FFE];
	_ =	sdelay $0x1  }
0x8a: {  	s1 =	srdreg.scid  }
0x8b: {  	s0 =	sand.u32 $0x1, s1  }
0x8c: {  	s17 =	sshll.u32 s0, $0xA;
	s2 =	sadd.s32 s3, s2  }
0x8d: {  	s2 =	sadd.s32 s2, s17  }
0x8e: {  	[smem:$0x3FC2] =	sst s2  }
0x8f: {  	_ = 	snop  }
0x90: {  	s2 =	sld [smem:$0x3FC8]  }
0x91: {  	s18 =	sld [smem:$0x3FC7]  }
0x92: {  	s4 =	sld [smem:$0x3FC6]  }
0x93: {  	s5 =	sld [smem:$0x3FC5]  }
0x94: {  	s6 =	sld [smem:$0x3FD0];
	(tm) =	ssettm $0x1  }
0x95: {  	s7 =	sld [smem:$0x3FFB];
	_ =	sdelay $0x3  }
0x96: {  	_ =	strace s7  }
0x97: {  	s7 =	sld [smem:$0x3FFC];
	_ =	sdelay $0x3  }
0x98: {  	_ =	strace s7  }
0x99: {  	s7 =	sld [smem:$0x3FFD];
	_ =	sdelay $0x3  }
0x9a: {  	_ =	strace s7  }
0x9b: {  	_ =	strace $0x8FFFFFFF  }
0x9c: {  	s19 =	sld [smem:$0x3FDB];
	_ =	sdelay $0x1  }
0x9d: {  	s8 =	simm.s32 $_scs_section_size  }
0x9e: {  	s9 =	simm.s32 $_size__tile_overlayer_lowered;
	s10 =	simm.s32 $_tile_overlayer_lowered  }
0x9f: {  	s22 =	simm.s32 $0x1BFF;
	s21 =	sshll.u32 s10, $0x1;
	s7 =	sadd.s32 s8, s19  }
0xa0: {  	s11 =	simm.s32 $0x0;
	s20 =	sshll.u32 s9, $0x1;
	s9 =	sadd.s32 s21, s7  }
0xa1: {  	[timem:s11], [sflag:s22] =	dma.local [hbm:s9], s20  }
0xa2: {  	_ =	swait.ge [sflag:s22], s20  }
0xa3: {  	s8 =	ssub.s32 $0x0, s20;
	[sflag:s22] =	ssyncset.done $0x0  }
0xa4: {  	[sflag:s22] =	ssyncadd.s32 s8;
	_ =	sdelay $0x1  }
0xa5: {  	s23 =	simm.s32 $0x1B8B  }
0xa6: {  	_ =	swait.ge [sflag:s23], $0x1  }
0xa7: {  	[sflag:s23] =	ssyncset.done $0x0  }
0xa8: {  	s25 =	simm.s32 $0x1B8E;
	s24 =	sld [smem:$0x3FFE];
	[sflag:s23] =	ssyncadd.s32 $0xFFFFFFFF  }
0xa9: {  	s26 =	simm.s32 $execute0_lowered;
	[smem:$0x3FD2] =	sst s25  }
0xaa: {  	s9 =	sshll.u32 s26, $0x1;
	_ =	strace $0x80000046;
	[dreg:$0x1] =	wrdreg $0xFFFFFFFF  }
0xab: {  	s28 =	simm.s32 $_size_execute0_lowered;
	s7 =	sadd.s32 s7, s9;
	[dreg:$0x0] =	wrdreg $0x0  }
0xac: {  	s9 =	sshll.u32 s28, $0x1;
	[dreg:$0x2] =	wrdreg s7  }
0xad: {  	[dreg:$0x3] =	wrdreg s9  }
0xae: {  	[dreg:$0x4] =	wrdreg $0xC0  }
0xaf: {  	_ =	task [dreg:s11], $0x5FFFF  }
0xb0: {  	[dreg:$0x1] =	wrdreg $0xFFFFFFFF  }
0xb1: {  	[dreg:$0x0] =	wrdreg $0x60  }
0xb2: {  	[dreg:$0x2] =	wrdreg s6  }
0xb3: {  	[dreg:$0x3] =	wrdreg s2  }
0xb4: {  	[dreg:$0x4] =	wrdreg s18  }
0xb5: {  	[dreg:$0x5] =	wrdreg s4  }
0xb6: {  	[dreg:$0x6] =	wrdreg s5  }
0xb7: {  	[dreg:$0x7] =	wrdreg s24  }
0xb8: {  	[dreg:$0x8] =	wrdreg $0x9  }
0xb9: {  	_ =	task.clear_ibuf [dreg:s11], $0x9FFFF;
	_ =	strace $0x90000046  }
0xba: {  	s29 =	simm.s32 $0x9;
	_ =	strace $0x80000048  }
0xbb: {  	_ =	swait.ge [sflag:s29], $0x1  }
0xbc: {  	[sflag:s29] =	ssyncadd.s32 $0xFFFFFFFF  }
0xbd: {  	_ =	strace $0x90000048  }
0xbe: {  	_ =	sfence  }
0xbf: {  	s30 =	sld [smem:$0x0];
	_ =	sdelay $0x2  }
0xc0: {  	s31 =	sshll.u32 s1, $0xD;
	s1 =	sshrl.u32 s1, $0x2  }
0xc1: {  	s3 =	sand.u32 $0x4000, s31;
	s1 =	sadd.s32 s1, s30  }
0xc2: {  	s0 =	sor.u32 s3, s0;
	s1 =	sshll.u32 s1, $0x11  }
0xc3: {  	s0 =	sor.u32 s1, s0  }
0xc4: {  	s0 =	sadd.s32 $0x8F2B, s0  }
0xc5: {  	[sflag:s0] =	ssyncadd.remote.s32 $0x1  }
0xc6: {  	_ =	sfence.sel $0xFFFF  }
0xc7: {  	[dreg:$0x0] =	wrdreg $0xFFFFFFFF;
	(pc) =	sbr.abs _section_cstart, $3  }
0xc8: {  	[dreg:$0x1] =	wrdreg $0xFFFFFFFF  }
0xc9: {  	_ =	task.clear_ibuf [dreg:s11], $0x2FFFF;
	_ =	strace $0x9FFFFFFF  }
0xca: {  	(tm) =	ssettm $0x7FFFFFFF  }
0xcb: {  	_ =	shalt  }
tec
execute0_lowered:
.L_overlay_start_1:
0x0: {  	(tag) =	ssettag $0x1  }
0x1: {  	s0 =	rddreg [dreg:$0x0]  }
0x2: {  	s3 =	rddreg [dreg:$0x1]  }
0x3: {  	s1 =	rddreg [dreg:$0x2]  }
0x4: {  	s2 =	rddreg [dreg:$0x3]  }
0x5: {  	s5 =	rddreg [dreg:$0x5];
	s4 =	simm.s32 $0x0;
	s6 =	srdreg.scid  }
0x6: {  	s7 =	stileid.u32;
	s28 =	simm.s32 $0x1;
	[dreg:$0x7] =	wrdreg s2  }
0x7: {  	s29 =	simm.s32 $0x2;
	s31 =	simm.s32 $0x5;
	s2 =	rddreg [dreg:$0x4]  }
0x8: {  	[smem:$0x7FF] =	sst s4;
	s6 =	sand.u32 $0x1, s6;
	s7 =	sshll.u32 s7, $0x1  }
0x9: {  	s10 =	sadd.s32 $0x800, s5;
	s18 =	sadd.s32 $0x80A00, s5;
	s9 =	sor.u32 s6, s7  }
0xa: {  	_ =	strace $0x80000047;
	s6 =	ssub.s32 $0x2, s6;
	s11 =	sshll.u32 s9, $0x3  }
0xb: {  	s7 =	sshll.u32 s9, $0x7;
	s8 =	sshrl.u32 s6, $0x1;
	s19 =	sadd.s32 s11, s5  }
0xc: {  	s0 =	sadd.s32 s0, s7;
	s20 =	ssub.s32 s6, s8;
	s5 =	sadd.s32 $0x100, s1  }
0xd: {  	s6 =	sadd.s32 $0x200, s1;
	s7 =	sadd.s32 $0x300, s1;
	s8 =	sadd.s32 $0x400, s1  }
0xe: {  	s3 =	sadd.s32 s3, s11;
	s11 =	sshll.u32 s9, $0xE;
	[dreg:$0x8] =	wrdreg s0  }
0xf: {  	s9 =	sadd.s32 $0x500, s1;
	[dreg:$0x9] =	wrdreg s3;
	s15 =	sadd.s32 s10, s11  }
0x10: {  	s12 =	sor.u32 $0x800, s11;
	s26 =	sadd.s32 s18, s11;
	[dreg:$0xa] =	wrdreg s15  }
0x11: {  	s13 =	sor.u32 $0x1000, s11;
	s16 =	sadd.s32 s10, s12;
	[dreg:$0x12] =	wrdreg s26  }
0x12: {  	s14 =	sor.u32 $0x1800, s11;
	s17 =	sadd.s32 s10, s13;
	[dreg:$0xb] =	wrdreg s16  }
0x13: {  	s0 =	simm.s32 $0x3;
	s21 =	sadd.s32 s10, s14;
	[dreg:$0xc] =	wrdreg s17  }
0x14: {  	s15 =	sor.u32 $0x2000, s11;
	s30 =	sadd.s32 s18, s12;
	[dreg:$0xd] =	wrdreg s21  }
0x15: {  	s12 =	sadd.s32 $0x100, s2;
	s3 =	sadd.s32 s18, s14;
	[dreg:$0x13] =	wrdreg s30  }
0x16: {  	s14 =	sadd.s32 $0x300, s2;
	s26 =	sadd.s32 $0x80800, s19;
	[dreg:$0x15] =	wrdreg s3  }
0x17: {  	s19 =	simm.s32 $0x8;
	s22 =	sadd.s32 s10, s15;
	[dreg:$0x1a] =	wrdreg s26  }
0x18: {  	s16 =	sor.u32 $0x2800, s11;
	s30 =	simm.s32 $0x40;
	[dreg:$0xe] =	wrdreg s22  }
0x19: {  	s17 =	sor.u32 $0x3000, s11;
	s23 =	sadd.s32 s10, s16;
	[dreg:$0x1b] =	wrdreg s30  }
0x1a: {  	s21 =	sor.u32 $0x3800, s11;
	s24 =	sadd.s32 s10, s17;
	[dreg:$0xf] =	wrdreg s23  }
0x1b: {  	s11 =	sadd.s32 $0x700, s1;
	s25 =	sadd.s32 s10, s21;
	[dreg:$0x10] =	wrdreg s24  }
0x1c: {  	s10 =	sadd.s32 $0x600, s1;
	s1 =	sadd.s32 s18, s13;
	[dreg:$0x11] =	wrdreg s25  }
0x1d: {  	s3 =	simm.s32 $0x6;
	s22 =	sadd.s32 s18, s15;
	[dreg:$0x14] =	wrdreg s1  }
0x1e: {  	s13 =	sadd.s32 $0x200, s2;
	s15 =	sadd.s32 $0x400, s2;
	[dreg:$0x16] =	wrdreg s22  }
0x1f: {  	s23 =	sadd.s32 s18, s16;
	s16 =	sadd.s32 $0x500, s2;
	s24 =	sadd.s32 s18, s17  }
0x20: {  	v0 =	vlaneseq.u32;
	s17 =	sadd.s32 $0x600, s2;
	s25 =	sadd.s32 s18, s21;
	[dreg:$0x17] =	wrdreg s23  }
0x21: {  	v1 =	vshrl.u32 v0, $0x3;
	s18 =	sadd.s32 $0x700, s2;
	s2 =	smax.u32 s20, $0x1;
	[dreg:$0x18] =	wrdreg s24  }
0x22: {  	vm0 =	vmmov $0xffff;
	v0 =	vand.u32 $0x7, v0;
	v1 =	vmul.u32 $0x8, v1;
	s22 =	simm.s32 $0x4;
	[dreg:$0x19] =	wrdreg s25;
	s23 =	simm.s32 $0x7  }
.LBB2_1:
0x23: {  	[dreg:$0x1c] =	wrdreg s2  }
0x24: {  	s1 =	rddreg [dreg:$0x8];
	s25 =	simm.s32 $0xA  }
0x25: {  	[tilespmem:s4], [sflag:$0xA] =	stream.linear.gather [hbm4b:s1+s4], $0x400, $0x38;
	[tilespmem:$0x10500] =	vst v63  }
0x26: {  	_ =	swait.ge [sflag:s25], $0x400  }
0x27: {  	[sflag:s25] =	ssyncset.done $0x0  }
0x28: {  	[sflag:s25] =	ssyncadd.s32 $0xFFFFFC00  }
0x29: {  	v2 =	vld.msk [tilespmem:$0x0], $0xff;
	_ =	sdelay $0x4  }
0x2a: {  	v3 =	vshll.u32 v2, $0x4  }
0x2b: {  	v2 =	vand.u32 $0x7, v2;
	v3 =	vand.u32 $0xFFFFFF80, v3  }
0x2c: {  	v2 =	vor.u32 v2, v3  }
0x2d: {  	v2 =	vperm.xlane v2, v0;
	_ =	sdelay $0x1  }
0x2e: {  	v2 =	vadd.s32 v1, v2;
	_ =	sdelay $0x3  }
0x2f: {  	s26 =	simm.s32 $0x480;
	s21 =	rddreg [dreg:$0x2]  }
0x30: {  	[tilespmem:s26], [sflag:$0x1] =	stream.indirect_vreg.gather [hbm4b:s21+s4], $0x80, v2, vm0, $0xb8;
	[tilespmem:$0x10500] =	vst v63  }
0x31: {  	s30 =	simm.s32 $0xC80  }
0x32: {  	[tilespmem:s30], [sflag:$0x1] =	stream.indirect_vreg.gather [hbm4b:s5+s4], $0x80, v2, vm0, $0xb8;
	[tilespmem:$0x10500] =	vst v63  }
0x33: {  	s2 =	simm.s32 $0x1480  }
0x34: {  	[tilespmem:s2], [sflag:$0x1] =	stream.indirect_vreg.gather [hbm4b:s6+s4], $0x80, v2, vm0, $0xb8;
	[tilespmem:$0x10500] =	vst v63  }
0x35: {  	s24 =	simm.s32 $0x1C80  }
0x36: {  	[tilespmem:s24], [sflag:$0x1] =	stream.indirect_vreg.gather [hbm4b:s7+s4], $0x80, v2, vm0, $0xb8;
	[tilespmem:$0x10500] =	vst v63  }
0x37: {  	s25 =	simm.s32 $0x2480  }
0x38: {  	[tilespmem:s25], [sflag:$0x1] =	stream.indirect_vreg.gather [hbm4b:s8+s4], $0x80, v2, vm0, $0xb8;
	[tilespmem:$0x10500] =	vst v63  }
0x39: {  	s26 =	simm.s32 $0x2C80  }
0x3a: {  	[tilespmem:s26], [sflag:$0x1] =	stream.indirect_vreg.gather [hbm4b:s9+s4], $0x80, v2, vm0, $0xb8;
	[tilespmem:$0x10500] =	vst v63  }
0x3b: {  	s30 =	simm.s32 $0x3480  }
0x3c: {  	[tilespmem:s30], [sflag:$0x1] =	stream.indirect_vreg.gather [hbm4b:s10+s4], $0x80, v2, vm0, $0xb8;
	[tilespmem:$0x10500] =	vst v63  }
0x3d: {  	s2 =	simm.s32 $0x3C80  }
0x3e: {  	[tilespmem:s2], [sflag:$0x1] =	stream.indirect_vreg.gather [hbm4b:s11+s4], $0x80, v2, vm0, $0xb8;
	[tilespmem:$0x10500] =	vst v63  }
0x3f: {  	v2 =	vld.msk [tilespmem:$0x80], $0xff;
	_ =	sdelay $0x4  }
0x40: {  	v3 =	vshll.u32 v2, $0x4  }
0x41: {  	v2 =	vand.u32 $0x7, v2;
	v3 =	vand.u32 $0xFFFFFF80, v3  }
0x42: {  	v2 =	vor.u32 v2, v3  }
0x43: {  	v2 =	vperm.xlane v2, v0;
	_ =	sdelay $0x1  }
0x44: {  	v2 =	vadd.s32 v1, v2;
	_ =	sdelay $0x3  }
0x45: {  	s24 =	simm.s32 $0x4480  }
0x46: {  	[tilespmem:s24], [sflag:$0x2] =	stream.indirect_vreg.gather [hbm4b:s21+s4], $0x80, v2, vm0, $0xb8;
	[tilespmem:$0x10500] =	vst v63  }
0x47: {  	s25 =	simm.s32 $0x4C80  }
0x48: {  	[tilespmem:s25], [sflag:$0x2] =	stream.indirect_vreg.gather [hbm4b:s5+s4], $0x80, v2, vm0, $0xb8;
	[tilespmem:$0x10500] =	vst v63  }
0x49: {  	s26 =	simm.s32 $0x5480  }
0x4a: {  	[tilespmem:s26], [sflag:$0x2] =	stream.indirect_vreg.gather [hbm4b:s6+s4], $0x80, v2, vm0, $0xb8;
	[tilespmem:$0x10500] =	vst v63  }
0x4b: {  	s30 =	simm.s32 $0x5C80  }
0x4c: {  	[tilespmem:s30], [sflag:$0x2] =	stream.indirect_vreg.gather [hbm4b:s7+s4], $0x80, v2, vm0, $0xb8;
	[tilespmem:$0x10500] =	vst v63  }
0x4d: {  	s2 =	simm.s32 $0x6480  }
0x4e: {  	[tilespmem:s2], [sflag:$0x2] =	stream.indirect_vreg.gather [hbm4b:s8+s4], $0x80, v2, vm0, $0xb8;
	[tilespmem:$0x10500] =	vst v63  }
0x4f: {  	s24 =	simm.s32 $0x6C80  }
0x50: {  	[tilespmem:s24], [sflag:$0x2] =	stream.indirect_vreg.gather [hbm4b:s9+s4], $0x80, v2, vm0, $0xb8;
	[tilespmem:$0x10500] =	vst v63  }
0x51: {  	s25 =	simm.s32 $0x7480  }
0x52: {  	[tilespmem:s25], [sflag:$0x2] =	stream.indirect_vreg.gather [hbm4b:s10+s4], $0x80, v2, vm0, $0xb8;
	[tilespmem:$0x10500] =	vst v63  }
0x53: {  	s30 =	simm.s32 $0x7C80  }
0x54: {  	[tilespmem:s30], [sflag:$0x2] =	stream.indirect_vreg.gather [hbm4b:s11+s4], $0x80, v2, vm0, $0xb8;
	[tilespmem:$0x10500] =	vst v63  }
0x55: {  	s20 =	simm.s32 $0xA;
	s26 =	rddreg [dreg:$0x9];
	s25 =	simm.s32 $0x400  }
0x56: {  	[tilespmem:s25], [sflag:$0xA] =	stream.linear.gather [hbm4b:s26+s4], $0x40, $0x38;
	[tilespmem:$0x10500] =	vst v63  }
0x57: {  	_ =	swait.ge [sflag:s20], $0x40  }
0x58: {  	s24 =	rddreg [dreg:$0x7];
	[sflag:s20] =	ssyncset.done $0x0  }
0x59: {  	s30 =	simm.s32 $0x10480;
	s26 =	rddreg [dreg:$0x1b];
	[sflag:s20] =	ssyncadd.s32 $0xFFFFFFC0  }
0x5a: {  	[tilespmem:s30], [sflag:$0x9] =	stream.indirect.gather [hbm4b:s24+s26], $0x1, s25, s26, $0xb8;
	[tilespmem:$0x10500] =	vst v63  }
0x5b: {  	v2 =	vld.msk [tilespmem:$0x100], $0xff;
	_ =	sdelay $0x4  }
0x5c: {  	v3 =	vshll.u32 v2, $0x4  }
0x5d: {  	v2 =	vand.u32 $0x7, v2;
	v3 =	vand.u32 $0xFFFFFF80, v3  }
0x5e: {  	v2 =	vor.u32 v2, v3  }
0x5f: {  	v2 =	vperm.xlane v2, v0;
	_ =	sdelay $0x1  }
0x60: {  	v2 =	vadd.s32 v1, v2;
	_ =	sdelay $0x3  }
0x61: {  	s25 =	simm.s32 $0x8480  }
0x62: {  	[tilespmem:s25], [sflag:$0x3] =	stream.indirect_vreg.gather [hbm4b:s21+s4], $0x80, v2, vm0, $0xb8;
	[tilespmem:$0x10500] =	vst v63  }
0x63: {  	s20 =	simm.s32 $0x8C80  }
0x64: {  	[tilespmem:s20], [sflag:$0x3] =	stream.indirect_vreg.gather [hbm4b:s5+s4], $0x80, v2, vm0, $0xb8;
	[tilespmem:$0x10500] =	vst v63  }
0x65: {  	s24 =	simm.s32 $0x9480  }
0x66: {  	[tilespmem:s24], [sflag:$0x3] =	stream.indirect_vreg.gather [hbm4b:s6+s4], $0x80, v2, vm0, $0xb8;
	[tilespmem:$0x10500] =	vst v63  }
0x67: {  	s26 =	simm.s32 $0x9C80  }
0x68: {  	[tilespmem:s26], [sflag:$0x3] =	stream.indirect_vreg.gather [hbm4b:s7+s4], $0x80, v2, vm0, $0xb8;
	[tilespmem:$0x10500] =	vst v63  }
0x69: {  	s30 =	simm.s32 $0xA480  }
0x6a: {  	[tilespmem:s30], [sflag:$0x3] =	stream.indirect_vreg.gather [hbm4b:s8+s4], $0x80, v2, vm0, $0xb8;
	[tilespmem:$0x10500] =	vst v63  }
0x6b: {  	s2 =	simm.s32 $0xAC80  }
0x6c: {  	[tilespmem:s2], [sflag:$0x3] =	stream.indirect_vreg.gather [hbm4b:s9+s4], $0x80, v2, vm0, $0xb8;
	[tilespmem:$0x10500] =	vst v63  }
0x6d: {  	s20 =	simm.s32 $0xB480  }
0x6e: {  	[tilespmem:s20], [sflag:$0x3] =	stream.indirect_vreg.gather [hbm4b:s10+s4], $0x80, v2, vm0, $0xb8;
	[tilespmem:$0x10500] =	vst v63  }
0x6f: {  	s24 =	simm.s32 $0xBC80  }
0x70: {  	[tilespmem:s24], [sflag:$0x3] =	stream.indirect_vreg.gather [hbm4b:s11+s4], $0x80, v2, vm0, $0xb8;
	[tilespmem:$0x10500] =	vst v63  }
0x71: {  	_ =	swait.ge [sflag:s28], $0x4000  }
0x72: {  	[sflag:s28] =	ssyncset.done $0x0  }
0x73: {  	s2 =	simm.s32 $0x480;
	s26 =	rddreg [dreg:$0xa];
	[sflag:s28] =	ssyncadd.s32 $0xFFFFC000  }
0x74: {  	[hbm4b:s26+s4] =	stream.linear.scatter [tilespmem:s2], [sflag:$0x5], $0x4000, $0x38;
	[tilespmem:$0x10500] =	vst v63  }
0x75: {  	v2 =	vld.msk [tilespmem:$0x180], $0xff;
	_ =	sdelay $0x4  }
0x76: {  	v3 =	vshll.u32 v2, $0x4  }
0x77: {  	v2 =	vand.u32 $0x7, v2;
	v3 =	vand.u32 $0xFFFFFF80, v3  }
0x78: {  	v2 =	vor.u32 v2, v3  }
0x79: {  	v2 =	vperm.xlane v2, v0;
	_ =	sdelay $0x1  }
0x7a: {  	v2 =	vadd.s32 v1, v2;
	_ =	sdelay $0x3  }
0x7b: {  	s20 =	simm.s32 $0xC480  }
0x7c: {  	[tilespmem:s20], [sflag:$0x4] =	stream.indirect_vreg.gather [hbm4b:s21+s4], $0x80, v2, vm0, $0xb8;
	[tilespmem:$0x10500] =	vst v63  }
0x7d: {  	s30 =	simm.s32 $0xCC80  }
0x7e: {  	[tilespmem:s30], [sflag:$0x4] =	stream.indirect_vreg.gather [hbm4b:s5+s4], $0x80, v2, vm0, $0xb8;
	[tilespmem:$0x10500] =	vst v63  }
0x7f: {  	s24 =	simm.s32 $0xD480  }
0x80: {  	[tilespmem:s24], [sflag:$0x4] =	stream.indirect_vreg.gather [hbm4b:s6+s4], $0x80, v2, vm0, $0xb8;
	[tilespmem:$0x10500] =	vst v63  }
0x81: {  	s26 =	simm.s32 $0xDC80  }
0x82: {  	[tilespmem:s26], [sflag:$0x4] =	stream.indirect_vreg.gather [hbm4b:s7+s4], $0x80, v2, vm0, $0xb8;
	[tilespmem:$0x10500] =	vst v63  }
0x83: {  	s30 =	simm.s32 $0xE480  }
0x84: {  	[tilespmem:s30], [sflag:$0x4] =	stream.indirect_vreg.gather [hbm4b:s8+s4], $0x80, v2, vm0, $0xb8;
	[tilespmem:$0x10500] =	vst v63  }
0x85: {  	s24 =	simm.s32 $0xEC80  }
0x86: {  	[tilespmem:s24], [sflag:$0x4] =	stream.indirect_vreg.gather [hbm4b:s9+s4], $0x80, v2, vm0, $0xb8;
	[tilespmem:$0x10500] =	vst v63  }
0x87: {  	s26 =	simm.s32 $0xF480  }
0x88: {  	[tilespmem:s26], [sflag:$0x4] =	stream.indirect_vreg.gather [hbm4b:s10+s4], $0x80, v2, vm0, $0xb8;
	[tilespmem:$0x10500] =	vst v63  }
0x89: {  	s30 =	simm.s32 $0xFC80  }
0x8a: {  	[tilespmem:s30], [sflag:$0x4] =	stream.indirect_vreg.gather [hbm4b:s11+s4], $0x80, v2, vm0, $0xb8;
	[tilespmem:$0x10500] =	vst v63  }
0x8b: {  	_ =	swait.ge [sflag:s29], $0x4000  }
0x8c: {  	[sflag:s29] =	ssyncset.done $0x0  }
0x8d: {  	s26 =	simm.s32 $0x4480;
	s24 =	rddreg [dreg:$0xb];
	[sflag:s29] =	ssyncadd.s32 $0xFFFFC000  }
0x8e: {  	[hbm4b:s24+s4] =	stream.linear.scatter [tilespmem:s26], [sflag:$0x6], $0x4000, $0x38;
	[tilespmem:$0x10500] =	vst v63  }
0x8f: {  	_ =	swait.ge [sflag:s31], $0x4000  }
0x90: {  	[sflag:s31] =	ssyncset.done $0x0  }
0x91: {  	[sflag:s31] =	ssyncadd.s32 $0xFFFFC000  }
0x92: {  	v2 =	vld.msk [tilespmem:$0x200], $0xff;
	_ =	sdelay $0x4  }
0x93: {  	v3 =	vshll.u32 v2, $0x4  }
0x94: {  	v2 =	vand.u32 $0x7, v2;
	v3 =	vand.u32 $0xFFFFFF80, v3  }
0x95: {  	v2 =	vor.u32 v2, v3  }
0x96: {  	v2 =	vperm.xlane v2, v0;
	_ =	sdelay $0x1  }
0x97: {  	v2 =	vadd.s32 v1, v2;
	_ =	sdelay $0x4  }
0x98: {  	[tilespmem:s2], [sflag:$0x1] =	stream.indirect_vreg.gather [hbm4b:s21+s4], $0x80, v2, vm0, $0xb8;
	[tilespmem:$0x10500] =	vst v63  }
0x99: {  	s30 =	simm.s32 $0xC80  }
0x9a: {  	[tilespmem:s30], [sflag:$0x1] =	stream.indirect_vreg.gather [hbm4b:s5+s4], $0x80, v2, vm0, $0xb8;
	[tilespmem:$0x10500] =	vst v63  }
0x9b: {  	s2 =	simm.s32 $0x1480  }
0x9c: {  	[tilespmem:s2], [sflag:$0x1] =	stream.indirect_vreg.gather [hbm4b:s6+s4], $0x80, v2, vm0, $0xb8;
	[tilespmem:$0x10500] =	vst v63  }
0x9d: {  	s30 =	simm.s32 $0x1C80  }
0x9e: {  	[tilespmem:s30], [sflag:$0x1] =	stream.indirect_vreg.gather [hbm4b:s7+s4], $0x80, v2, vm0, $0xb8;
	[tilespmem:$0x10500] =	vst v63  }
0x9f: {  	s2 =	simm.s32 $0x2480  }
0xa0: {  	[tilespmem:s2], [sflag:$0x1] =	stream.indirect_vreg.gather [hbm4b:s8+s4], $0x80, v2, vm0, $0xb8;
	[tilespmem:$0x10500] =	vst v63  }
0xa1: {  	s30 =	simm.s32 $0x2C80  }
0xa2: {  	[tilespmem:s30], [sflag:$0x1] =	stream.indirect_vreg.gather [hbm4b:s9+s4], $0x80, v2, vm0, $0xb8;
	[tilespmem:$0x10500] =	vst v63  }
0xa3: {  	s2 =	simm.s32 $0x3480  }
0xa4: {  	[tilespmem:s2], [sflag:$0x1] =	stream.indirect_vreg.gather [hbm4b:s10+s4], $0x80, v2, vm0, $0xb8;
	[tilespmem:$0x10500] =	vst v63  }
0xa5: {  	s30 =	simm.s32 $0x3C80  }
0xa6: {  	[tilespmem:s30], [sflag:$0x1] =	stream.indirect_vreg.gather [hbm4b:s11+s4], $0x80, v2, vm0, $0xb8;
	[tilespmem:$0x10500] =	vst v63  }
0xa7: {  	_ =	swait.ge [sflag:s0], $0x4000  }
0xa8: {  	[sflag:s0] =	ssyncset.done $0x0  }
0xa9: {  	s2 =	rddreg [dreg:$0xc];
	[sflag:s0] =	ssyncadd.s32 $0xFFFFC000  }
0xaa: {  	[hbm4b:s2+s4] =	stream.linear.scatter [tilespmem:s25], [sflag:$0x7], $0x4000, $0x38;
	[tilespmem:$0x10500] =	vst v63  }
0xab: {  	_ =	swait.ge [sflag:s3], $0x4000  }
0xac: {  	[sflag:s3] =	ssyncset.done $0x0  }
0xad: {  	[sflag:s3] =	ssyncadd.s32 $0xFFFFC000  }
0xae: {  	v2 =	vld.msk [tilespmem:$0x280], $0xff;
	_ =	sdelay $0x4  }
0xaf: {  	v3 =	vshll.u32 v2, $0x4  }
0xb0: {  	v2 =	vand.u32 $0x7, v2;
	v3 =	vand.u32 $0xFFFFFF80, v3  }
0xb1: {  	v2 =	vor.u32 v2, v3  }
0xb2: {  	v2 =	vperm.xlane v2, v0;
	_ =	sdelay $0x1  }
0xb3: {  	v2 =	vadd.s32 v1, v2;
	_ =	sdelay $0x4  }
0xb4: {  	[tilespmem:s26], [sflag:$0x2] =	stream.indirect_vreg.gather [hbm4b:s21+s4], $0x80, v2, vm0, $0xb8;
	[tilespmem:$0x10500] =	vst v63  }
0xb5: {  	s26 =	simm.s32 $0x4C80  }
0xb6: {  	[tilespmem:s26], [sflag:$0x2] =	stream.indirect_vreg.gather [hbm4b:s5+s4], $0x80, v2, vm0, $0xb8;
	[tilespmem:$0x10500] =	vst v63  }
0xb7: {  	s30 =	simm.s32 $0x5480  }
0xb8: {  	[tilespmem:s30], [sflag:$0x2] =	stream.indirect_vreg.gather [hbm4b:s6+s4], $0x80, v2, vm0, $0xb8;
	[tilespmem:$0x10500] =	vst v63  }
0xb9: {  	s30 =	simm.s32 $0x5C80  }
0xba: {  	[tilespmem:s30], [sflag:$0x2] =	stream.indirect_vreg.gather [hbm4b:s7+s4], $0x80, v2, vm0, $0xb8;
	[tilespmem:$0x10500] =	vst v63  }
0xbb: {  	s30 =	simm.s32 $0x6480  }
0xbc: {  	[tilespmem:s30], [sflag:$0x2] =	stream.indirect_vreg.gather [hbm4b:s8+s4], $0x80, v2, vm0, $0xb8;
	[tilespmem:$0x10500] =	vst v63  }
0xbd: {  	s30 =	simm.s32 $0x6C80  }
0xbe: {  	[tilespmem:s30], [sflag:$0x2] =	stream.indirect_vreg.gather [hbm4b:s9+s4], $0x80, v2, vm0, $0xb8;
	[tilespmem:$0x10500] =	vst v63  }
0xbf: {  	s30 =	simm.s32 $0x7480  }
0xc0: {  	[tilespmem:s30], [sflag:$0x2] =	stream.indirect_vreg.gather [hbm4b:s10+s4], $0x80, v2, vm0, $0xb8;
	[tilespmem:$0x10500] =	vst v63  }
0xc1: {  	s30 =	simm.s32 $0x7C80  }
0xc2: {  	[tilespmem:s30], [sflag:$0x2] =	stream.indirect_vreg.gather [hbm4b:s11+s4], $0x80, v2, vm0, $0xb8;
	[tilespmem:$0x10500] =	vst v63  }
0xc3: {  	_ =	swait.ge [sflag:s22], $0x4000  }
0xc4: {  	[sflag:s22] =	ssyncset.done $0x0  }
0xc5: {  	s30 =	rddreg [dreg:$0xd];
	[sflag:s22] =	ssyncadd.s32 $0xFFFFC000  }
0xc6: {  	[hbm4b:s30+s4] =	stream.linear.scatter [tilespmem:s20], [sflag:$0x8], $0x4000, $0x38;
	[tilespmem:$0x10500] =	vst v63  }
0xc7: {  	_ =	swait.ge [sflag:s23], $0x4000  }
0xc8: {  	[sflag:s23] =	ssyncset.done $0x0  }
0xc9: {  	[sflag:s23] =	ssyncadd.s32 $0xFFFFC000  }
0xca: {  	v2 =	vld.msk [tilespmem:$0x300], $0xff;
	_ =	sdelay $0x4  }
0xcb: {  	v3 =	vshll.u32 v2, $0x4  }
0xcc: {  	v2 =	vand.u32 $0x7, v2;
	v3 =	vand.u32 $0xFFFFFF80, v3  }
0xcd: {  	v2 =	vor.u32 v2, v3  }
0xce: {  	v2 =	vperm.xlane v2, v0;
	_ =	sdelay $0x1  }
0xcf: {  	v2 =	vadd.s32 v1, v2;
	_ =	sdelay $0x4  }
0xd0: {  	[tilespmem:s25], [sflag:$0x3] =	stream.indirect_vreg.gather [hbm4b:s21+s4], $0x80, v2, vm0, $0xb8;
	[tilespmem:$0x10500] =	vst v63  }
0xd1: {  	s30 =	simm.s32 $0x8C80  }
0xd2: {  	[tilespmem:s30], [sflag:$0x3] =	stream.indirect_vreg.gather [hbm4b:s5+s4], $0x80, v2, vm0, $0xb8;
	[tilespmem:$0x10500] =	vst v63  }
0xd3: {  	s30 =	simm.s32 $0x9480  }
0xd4: {  	[tilespmem:s30], [sflag:$0x3] =	stream.indirect_vreg.gather [hbm4b:s6+s4], $0x80, v2, vm0, $0xb8;
	[tilespmem:$0x10500] =	vst v63  }
0xd5: {  	s30 =	simm.s32 $0x9C80  }
0xd6: {  	[tilespmem:s30], [sflag:$0x3] =	stream.indirect_vreg.gather [hbm4b:s7+s4], $0x80, v2, vm0, $0xb8;
	[tilespmem:$0x10500] =	vst v63  }
0xd7: {  	s30 =	simm.s32 $0xA480  }
0xd8: {  	[tilespmem:s30], [sflag:$0x3] =	stream.indirect_vreg.gather [hbm4b:s8+s4], $0x80, v2, vm0, $0xb8;
	[tilespmem:$0x10500] =	vst v63  }
0xd9: {  	s30 =	simm.s32 $0xAC80  }
0xda: {  	[tilespmem:s30], [sflag:$0x3] =	stream.indirect_vreg.gather [hbm4b:s9+s4], $0x80, v2, vm0, $0xb8;
	[tilespmem:$0x10500] =	vst v63  }
0xdb: {  	s30 =	simm.s32 $0xB480  }
0xdc: {  	[tilespmem:s30], [sflag:$0x3] =	stream.indirect_vreg.gather [hbm4b:s10+s4], $0x80, v2, vm0, $0xb8;
	[tilespmem:$0x10500] =	vst v63  }
0xdd: {  	s30 =	simm.s32 $0xBC80  }
0xde: {  	[tilespmem:s30], [sflag:$0x3] =	stream.indirect_vreg.gather [hbm4b:s11+s4], $0x80, v2, vm0, $0xb8;
	[tilespmem:$0x10500] =	vst v63  }
0xdf: {  	_ =	swait.ge [sflag:s28], $0x4000  }
0xe0: {  	[sflag:s28] =	ssyncset.done $0x0  }
0xe1: {  	s24 =	simm.s32 $0x480;
	s30 =	rddreg [dreg:$0xe];
	[sflag:s28] =	ssyncadd.s32 $0xFFFFC000  }
0xe2: {  	[hbm4b:s30+s4] =	stream.linear.scatter [tilespmem:s24], [sflag:$0x5], $0x4000, $0x38;
	[tilespmem:$0x10500] =	vst v63  }
0xe3: {  	_ =	swait.ge [sflag:s19], $0x4000  }
0xe4: {  	[sflag:s19] =	ssyncset.done $0x0  }
0xe5: {  	[sflag:s19] =	ssyncadd.s32 $0xFFFFC000  }
0xe6: {  	v2 =	vld.msk [tilespmem:$0x380], $0xff;
	_ =	sdelay $0x4  }
0xe7: {  	v3 =	vshll.u32 v2, $0x4  }
0xe8: {  	v2 =	vand.u32 $0x7, v2;
	v3 =	vand.u32 $0xFFFFFF80, v3  }
0xe9: {  	v2 =	vor.u32 v2, v3  }
0xea: {  	v2 =	vperm.xlane v2, v0;
	_ =	sdelay $0x1  }
0xeb: {  	v2 =	vadd.s32 v1, v2;
	_ =	sdelay $0x4  }
0xec: {  	[tilespmem:s20], [sflag:$0x4] =	stream.indirect_vreg.gather [hbm4b:s21+s4], $0x80, v2, vm0, $0xb8;
	[tilespmem:$0x10500] =	vst v63  }
0xed: {  	s24 =	simm.s32 $0xCC80  }
0xee: {  	[tilespmem:s24], [sflag:$0x4] =	stream.indirect_vreg.gather [hbm4b:s5+s4], $0x80, v2, vm0, $0xb8;
	[tilespmem:$0x10500] =	vst v63  }
0xef: {  	s21 =	simm.s32 $0xD480  }
0xf0: {  	[tilespmem:s21], [sflag:$0x4] =	stream.indirect_vreg.gather [hbm4b:s6+s4], $0x80, v2, vm0, $0xb8;
	[tilespmem:$0x10500] =	vst v63  }
0xf1: {  	s21 =	simm.s32 $0xDC80  }
0xf2: {  	[tilespmem:s21], [sflag:$0x4] =	stream.indirect_vreg.gather [hbm4b:s7+s4], $0x80, v2, vm0, $0xb8;
	[tilespmem:$0x10500] =	vst v63  }
0xf3: {  	s24 =	simm.s32 $0xE480  }
0xf4: {  	[tilespmem:s24], [sflag:$0x4] =	stream.indirect_vreg.gather [hbm4b:s8+s4], $0x80, v2, vm0, $0xb8;
	[tilespmem:$0x10500] =	vst v63  }
0xf5: {  	s24 =	simm.s32 $0xEC80  }
0xf6: {  	[tilespmem:s24], [sflag:$0x4] =	stream.indirect_vreg.gather [hbm4b:s9+s4], $0x80, v2, vm0, $0xb8;
	[tilespmem:$0x10500] =	vst v63  }
0xf7: {  	s24 =	simm.s32 $0xF480  }
0xf8: {  	[tilespmem:s24], [sflag:$0x4] =	stream.indirect_vreg.gather [hbm4b:s10+s4], $0x80, v2, vm0, $0xb8;
	[tilespmem:$0x10500] =	vst v63  }
0xf9: {  	s24 =	simm.s32 $0xFC80  }
0xfa: {  	[tilespmem:s24], [sflag:$0x4] =	stream.indirect_vreg.gather [hbm4b:s11+s4], $0x80, v2, vm0, $0xb8;
	[tilespmem:$0x10500] =	vst v63  }
0xfb: {  	_ =	swait.ge [sflag:s29], $0x4000  }
0xfc: {  	[sflag:s29] =	ssyncset.done $0x0  }
0xfd: {  	s2 =	simm.s32 $0x4480;
	s24 =	rddreg [dreg:$0xf];
	[sflag:s29] =	ssyncadd.s32 $0xFFFFC000  }
0xfe: {  	[hbm4b:s24+s4] =	stream.linear.scatter [tilespmem:s2], [sflag:$0x6], $0x4000, $0x38;
	[tilespmem:$0x10500] =	vst v63  }
0xff: {  	_ =	swait.ge [sflag:s31], $0x4000  }
0x100: {  	[sflag:s31] =	ssyncset.done $0x0  }
0x101: {  	[sflag:s31] =	ssyncadd.s32 $0xFFFFC000  }
0x102: {  	v2 =	vld.msk [tilespmem:$0x0], $0xff;
	_ =	sdelay $0x4  }
0x103: {  	v3 =	vshll.u32 v2, $0x4  }
0x104: {  	v2 =	vand.u32 $0x7, v2;
	v3 =	vand.u32 $0xFFFFFF80, v3  }
0x105: {  	v2 =	vor.u32 v2, v3  }
0x106: {  	v2 =	vperm.xlane v2, v0;
	_ =	sdelay $0x1  }
0x107: {  	v2 =	vadd.s32 v1, v2;
	_ =	sdelay $0x3  }
0x108: {  	s30 =	simm.s32 $0x480;
	s2 =	rddreg [dreg:$0x4]  }
0x109: {  	[tilespmem:s30], [sflag:$0x1] =	stream.indirect_vreg.gather [hbm4b:s2+s4], $0x80, v2, vm0, $0xb8;
	[tilespmem:$0x10500] =	vst v63  }
0x10a: {  	s1 =	simm.s32 $0xC80  }
0x10b: {  	[tilespmem:s1], [sflag:$0x1] =	stream.indirect_vreg.gather [hbm4b:s12+s4], $0x80, v2, vm0, $0xb8;
	[tilespmem:$0x10500] =	vst v63  }
0x10c: {  	s1 =	simm.s32 $0x1480  }
0x10d: {  	[tilespmem:s1], [sflag:$0x1] =	stream.indirect_vreg.gather [hbm4b:s13+s4], $0x80, v2, vm0, $0xb8;
	[tilespmem:$0x10500] =	vst v63  }
0x10e: {  	s1 =	simm.s32 $0x1C80  }
0x10f: {  	[tilespmem:s1], [sflag:$0x1] =	stream.indirect_vreg.gather [hbm4b:s14+s4], $0x80, v2, vm0, $0xb8;
	[tilespmem:$0x10500] =	vst v63  }
0x110: {  	s1 =	simm.s32 $0x2480  }
0x111: {  	[tilespmem:s1], [sflag:$0x1] =	stream.indirect_vreg.gather [hbm4b:s15+s4], $0x80, v2, vm0, $0xb8;
	[tilespmem:$0x10500] =	vst v63  }
0x112: {  	s1 =	simm.s32 $0x2C80  }
0x113: {  	[tilespmem:s1], [sflag:$0x1] =	stream.indirect_vreg.gather [hbm4b:s16+s4], $0x80, v2, vm0, $0xb8;
	[tilespmem:$0x10500] =	vst v63  }
0x114: {  	s1 =	simm.s32 $0x3480  }
0x115: {  	[tilespmem:s1], [sflag:$0x1] =	stream.indirect_vreg.gather [hbm4b:s17+s4], $0x80, v2, vm0, $0xb8;
	[tilespmem:$0x10500] =	vst v63  }
0x116: {  	s1 =	simm.s32 $0x3C80  }
0x117: {  	[tilespmem:s1], [sflag:$0x1] =	stream.indirect_vreg.gather [hbm4b:s18+s4], $0x80, v2, vm0, $0xb8;
	[tilespmem:$0x10500] =	vst v63  }
0x118: {  	_ =	swait.ge [sflag:s0], $0x4000  }
0x119: {  	[sflag:s0] =	ssyncset.done $0x0  }
0x11a: {  	s1 =	rddreg [dreg:$0x10];
	[sflag:s0] =	ssyncadd.s32 $0xFFFFC000  }
0x11b: {  	[hbm4b:s1+s4] =	stream.linear.scatter [tilespmem:s25], [sflag:$0x7], $0x4000, $0x38;
	[tilespmem:$0x10500] =	vst v63  }
0x11c: {  	_ =	swait.ge [sflag:s3], $0x4000  }
0x11d: {  	[sflag:s3] =	ssyncset.done $0x0  }
0x11e: {  	[sflag:s3] =	ssyncadd.s32 $0xFFFFC000  }
0x11f: {  	v2 =	vld.msk [tilespmem:$0x80], $0xff;
	_ =	sdelay $0x4  }
0x120: {  	v3 =	vshll.u32 v2, $0x4  }
0x121: {  	v2 =	vand.u32 $0x7, v2;
	v3 =	vand.u32 $0xFFFFFF80, v3  }
0x122: {  	v2 =	vor.u32 v2, v3  }
0x123: {  	v2 =	vperm.xlane v2, v0;
	_ =	sdelay $0x1  }
0x124: {  	v2 =	vadd.s32 v1, v2;
	_ =	sdelay $0x3  }
0x125: {  	s24 =	simm.s32 $0x4480  }
0x126: {  	[tilespmem:s24], [sflag:$0x2] =	stream.indirect_vreg.gather [hbm4b:s2+s4], $0x80, v2, vm0, $0xb8;
	[tilespmem:$0x10500] =	vst v63  }
0x127: {  	_ = 	snop  }
0x128: {  	[tilespmem:s26], [sflag:$0x2] =	stream.indirect_vreg.gather [hbm4b:s12+s4], $0x80, v2, vm0, $0xb8;
	[tilespmem:$0x10500] =	vst v63  }
0x129: {  	s26 =	simm.s32 $0x5480  }
0x12a: {  	[tilespmem:s26], [sflag:$0x2] =	stream.indirect_vreg.gather [hbm4b:s13+s4], $0x80, v2, vm0, $0xb8;
	[tilespmem:$0x10500] =	vst v63  }
0x12b: {  	s26 =	simm.s32 $0x5C80  }
0x12c: {  	[tilespmem:s26], [sflag:$0x2] =	stream.indirect_vreg.gather [hbm4b:s14+s4], $0x80, v2, vm0, $0xb8;
	[tilespmem:$0x10500] =	vst v63  }
0x12d: {  	s26 =	simm.s32 $0x6480  }
0x12e: {  	[tilespmem:s26], [sflag:$0x2] =	stream.indirect_vreg.gather [hbm4b:s15+s4], $0x80, v2, vm0, $0xb8;
	[tilespmem:$0x10500] =	vst v63  }
0x12f: {  	s26 =	simm.s32 $0x6C80  }
0x130: {  	[tilespmem:s26], [sflag:$0x2] =	stream.indirect_vreg.gather [hbm4b:s16+s4], $0x80, v2, vm0, $0xb8;
	[tilespmem:$0x10500] =	vst v63  }
0x131: {  	s26 =	simm.s32 $0x7480  }
0x132: {  	[tilespmem:s26], [sflag:$0x2] =	stream.indirect_vreg.gather [hbm4b:s17+s4], $0x80, v2, vm0, $0xb8;
	[tilespmem:$0x10500] =	vst v63  }
0x133: {  	s26 =	simm.s32 $0x7C80  }
0x134: {  	[tilespmem:s26], [sflag:$0x2] =	stream.indirect_vreg.gather [hbm4b:s18+s4], $0x80, v2, vm0, $0xb8;
	[tilespmem:$0x10500] =	vst v63  }
0x135: {  	_ =	swait.ge [sflag:s22], $0x4000  }
0x136: {  	[sflag:s22] =	ssyncset.done $0x0  }
0x137: {  	s26 =	rddreg [dreg:$0x11];
	[sflag:s22] =	ssyncadd.s32 $0xFFFFC000  }
0x138: {  	[hbm4b:s26+s4] =	stream.linear.scatter [tilespmem:s20], [sflag:$0x8], $0x4000, $0x38;
	[tilespmem:$0x10500] =	vst v63  }
0x139: {  	_ =	swait.ge [sflag:s23], $0x4000  }
0x13a: {  	[sflag:s23] =	ssyncset.done $0x0  }
0x13b: {  	[sflag:s23] =	ssyncadd.s32 $0xFFFFC000  }
0x13c: {  	v2 =	vld.msk [tilespmem:$0x100], $0xff;
	_ =	sdelay $0x4  }
0x13d: {  	v3 =	vshll.u32 v2, $0x4  }
0x13e: {  	v2 =	vand.u32 $0x7, v2;
	v3 =	vand.u32 $0xFFFFFF80, v3  }
0x13f: {  	v2 =	vor.u32 v2, v3  }
0x140: {  	v2 =	vperm.xlane v2, v0;
	_ =	sdelay $0x1  }
0x141: {  	v2 =	vadd.s32 v1, v2;
	_ =	sdelay $0x4  }
0x142: {  	[tilespmem:s25], [sflag:$0x3] =	stream.indirect_vreg.gather [hbm4b:s2+s4], $0x80, v2, vm0, $0xb8;
	[tilespmem:$0x10500] =	vst v63  }
0x143: {  	s26 =	simm.s32 $0x8C80  }
0x144: {  	[tilespmem:s26], [sflag:$0x3] =	stream.indirect_vreg.gather [hbm4b:s12+s4], $0x80, v2, vm0, $0xb8;
	[tilespmem:$0x10500] =	vst v63  }
0x145: {  	s26 =	simm.s32 $0x9480  }
0x146: {  	[tilespmem:s26], [sflag:$0x3] =	stream.indirect_vreg.gather [hbm4b:s13+s4], $0x80, v2, vm0, $0xb8;
	[tilespmem:$0x10500] =	vst v63  }
0x147: {  	s26 =	simm.s32 $0x9C80  }
0x148: {  	[tilespmem:s26], [sflag:$0x3] =	stream.indirect_vreg.gather [hbm4b:s14+s4], $0x80, v2, vm0, $0xb8;
	[tilespmem:$0x10500] =	vst v63  }
0x149: {  	s26 =	simm.s32 $0xA480  }
0x14a: {  	[tilespmem:s26], [sflag:$0x3] =	stream.indirect_vreg.gather [hbm4b:s15+s4], $0x80, v2, vm0, $0xb8;
	[tilespmem:$0x10500] =	vst v63  }
0x14b: {  	s26 =	simm.s32 $0xAC80  }
0x14c: {  	[tilespmem:s26], [sflag:$0x3] =	stream.indirect_vreg.gather [hbm4b:s16+s4], $0x80, v2, vm0, $0xb8;
	[tilespmem:$0x10500] =	vst v63  }
0x14d: {  	s26 =	simm.s32 $0xB480  }
0x14e: {  	[tilespmem:s26], [sflag:$0x3] =	stream.indirect_vreg.gather [hbm4b:s17+s4], $0x80, v2, vm0, $0xb8;
	[tilespmem:$0x10500] =	vst v63  }
0x14f: {  	s26 =	simm.s32 $0xBC80  }
0x150: {  	[tilespmem:s26], [sflag:$0x3] =	stream.indirect_vreg.gather [hbm4b:s18+s4], $0x80, v2, vm0, $0xb8;
	[tilespmem:$0x10500] =	vst v63  }
0x151: {  	_ =	swait.ge [sflag:s28], $0x4000  }
0x152: {  	[sflag:s28] =	ssyncset.done $0x0  }
0x153: {  	s30 =	simm.s32 $0x480;
	s26 =	rddreg [dreg:$0x12];
	[sflag:s28] =	ssyncadd.s32 $0xFFFFC000  }
0x154: {  	[hbm4b:s26+s4] =	stream.linear.scatter [tilespmem:s30], [sflag:$0x5], $0x4000, $0x38;
	[tilespmem:$0x10500] =	vst v63  }
0x155: {  	_ =	swait.ge [sflag:s19], $0x4000  }
0x156: {  	[sflag:s19] =	ssyncset.done $0x0  }
0x157: {  	[sflag:s19] =	ssyncadd.s32 $0xFFFFC000  }
0x158: {  	v2 =	vld.msk [tilespmem:$0x180], $0xff;
	_ =	sdelay $0x4  }
0x159: {  	v3 =	vshll.u32 v2, $0x4  }
0x15a: {  	v2 =	vand.u32 $0x7, v2;
	v3 =	vand.u32 $0xFFFFFF80, v3  }
0x15b: {  	v2 =	vor.u32 v2, v3  }
0x15c: {  	v2 =	vperm.xlane v2, v0;
	_ =	sdelay $0x1  }
0x15d: {  	v2 =	vadd.s32 v1, v2;
	_ =	sdelay $0x4  }
0x15e: {  	[tilespmem:s20], [sflag:$0x4] =	stream.indirect_vreg.gather [hbm4b:s2+s4], $0x80, v2, vm0, $0xb8;
	[tilespmem:$0x10500] =	vst v63  }
0x15f: {  	s26 =	simm.s32 $0xCC80  }
0x160: {  	[tilespmem:s26], [sflag:$0x4] =	stream.indirect_vreg.gather [hbm4b:s12+s4], $0x80, v2, vm0, $0xb8;
	[tilespmem:$0x10500] =	vst v63  }
0x161: {  	s1 =	simm.s32 $0xD480  }
0x162: {  	[tilespmem:s1], [sflag:$0x4] =	stream.indirect_vreg.gather [hbm4b:s13+s4], $0x80, v2, vm0, $0xb8;
	[tilespmem:$0x10500] =	vst v63  }
0x163: {  	_ = 	snop  }
0x164: {  	[tilespmem:s21], [sflag:$0x4] =	stream.indirect_vreg.gather [hbm4b:s14+s4], $0x80, v2, vm0, $0xb8;
	[tilespmem:$0x10500] =	vst v63  }
0x165: {  	s1 =	simm.s32 $0xE480  }
0x166: {  	[tilespmem:s1], [sflag:$0x4] =	stream.indirect_vreg.gather [hbm4b:s15+s4], $0x80, v2, vm0, $0xb8;
	[tilespmem:$0x10500] =	vst v63  }
0x167: {  	s1 =	simm.s32 $0xEC80  }
0x168: {  	[tilespmem:s1], [sflag:$0x4] =	stream.indirect_vreg.gather [hbm4b:s16+s4], $0x80, v2, vm0, $0xb8;
	[tilespmem:$0x10500] =	vst v63  }
0x169: {  	s1 =	simm.s32 $0xF480  }
0x16a: {  	[tilespmem:s1], [sflag:$0x4] =	stream.indirect_vreg.gather [hbm4b:s17+s4], $0x80, v2, vm0, $0xb8;
	[tilespmem:$0x10500] =	vst v63  }
0x16b: {  	s1 =	simm.s32 $0xFC80  }
0x16c: {  	[tilespmem:s1], [sflag:$0x4] =	stream.indirect_vreg.gather [hbm4b:s18+s4], $0x80, v2, vm0, $0xb8;
	[tilespmem:$0x10500] =	vst v63  }
0x16d: {  	_ =	swait.ge [sflag:s29], $0x4000  }
0x16e: {  	[sflag:s29] =	ssyncset.done $0x0  }
0x16f: {  	s24 =	simm.s32 $0x4480;
	s1 =	rddreg [dreg:$0x13];
	[sflag:s29] =	ssyncadd.s32 $0xFFFFC000  }
0x170: {  	[hbm4b:s1+s4] =	stream.linear.scatter [tilespmem:s24], [sflag:$0x6], $0x4000, $0x38;
	[tilespmem:$0x10500] =	vst v63  }
0x171: {  	_ =	swait.ge [sflag:s31], $0x4000  }
0x172: {  	[sflag:s31] =	ssyncset.done $0x0  }
0x173: {  	[sflag:s31] =	ssyncadd.s32 $0xFFFFC000  }
0x174: {  	v2 =	vld.msk [tilespmem:$0x200], $0xff;
	_ =	sdelay $0x4  }
0x175: {  	v3 =	vshll.u32 v2, $0x4  }
0x176: {  	v2 =	vand.u32 $0x7, v2;
	v3 =	vand.u32 $0xFFFFFF80, v3  }
0x177: {  	v2 =	vor.u32 v2, v3  }
0x178: {  	v2 =	vperm.xlane v2, v0;
	_ =	sdelay $0x1  }
0x179: {  	v2 =	vadd.s32 v1, v2;
	_ =	sdelay $0x4  }
0x17a: {  	[tilespmem:s30], [sflag:$0x1] =	stream.indirect_vreg.gather [hbm4b:s2+s4], $0x80, v2, vm0, $0xb8;
	[tilespmem:$0x10500] =	vst v63  }
0x17b: {  	s1 =	simm.s32 $0xC80  }
0x17c: {  	[tilespmem:s1], [sflag:$0x1] =	stream.indirect_vreg.gather [hbm4b:s12+s4], $0x80, v2, vm0, $0xb8;
	[tilespmem:$0x10500] =	vst v63  }
0x17d: {  	s1 =	simm.s32 $0x1480  }
0x17e: {  	[tilespmem:s1], [sflag:$0x1] =	stream.indirect_vreg.gather [hbm4b:s13+s4], $0x80, v2, vm0, $0xb8;
	[tilespmem:$0x10500] =	vst v63  }
0x17f: {  	s1 =	simm.s32 $0x1C80  }
0x180: {  	[tilespmem:s1], [sflag:$0x1] =	stream.indirect_vreg.gather [hbm4b:s14+s4], $0x80, v2, vm0, $0xb8;
	[tilespmem:$0x10500] =	vst v63  }
0x181: {  	s1 =	simm.s32 $0x2480  }
0x182: {  	[tilespmem:s1], [sflag:$0x1] =	stream.indirect_vreg.gather [hbm4b:s15+s4], $0x80, v2, vm0, $0xb8;
	[tilespmem:$0x10500] =	vst v63  }
0x183: {  	s1 =	simm.s32 $0x2C80  }
0x184: {  	[tilespmem:s1], [sflag:$0x1] =	stream.indirect_vreg.gather [hbm4b:s16+s4], $0x80, v2, vm0, $0xb8;
	[tilespmem:$0x10500] =	vst v63  }
0x185: {  	s1 =	simm.s32 $0x3480  }
0x186: {  	[tilespmem:s1], [sflag:$0x1] =	stream.indirect_vreg.gather [hbm4b:s17+s4], $0x80, v2, vm0, $0xb8;
	[tilespmem:$0x10500] =	vst v63  }
0x187: {  	s1 =	simm.s32 $0x3C80  }
0x188: {  	[tilespmem:s1], [sflag:$0x1] =	stream.indirect_vreg.gather [hbm4b:s18+s4], $0x80, v2, vm0, $0xb8;
	[tilespmem:$0x10500] =	vst v63  }
0x189: {  	_ =	swait.ge [sflag:s0], $0x4000  }
0x18a: {  	[sflag:s0] =	ssyncset.done $0x0  }
0x18b: {  	s1 =	rddreg [dreg:$0x14];
	[sflag:s0] =	ssyncadd.s32 $0xFFFFC000  }
0x18c: {  	[hbm4b:s1+s4] =	stream.linear.scatter [tilespmem:s25], [sflag:$0x7], $0x4000, $0x38;
	[tilespmem:$0x10500] =	vst v63  }
0x18d: {  	_ =	swait.ge [sflag:s3], $0x4000  }
0x18e: {  	[sflag:s3] =	ssyncset.done $0x0  }
0x18f: {  	[sflag:s3] =	ssyncadd.s32 $0xFFFFC000  }
0x190: {  	v2 =	vld.msk [tilespmem:$0x280], $0xff;
	_ =	sdelay $0x4  }
0x191: {  	v3 =	vshll.u32 v2, $0x4  }
0x192: {  	v2 =	vand.u32 $0x7, v2;
	v3 =	vand.u32 $0xFFFFFF80, v3  }
0x193: {  	v2 =	vor.u32 v2, v3  }
0x194: {  	v2 =	vperm.xlane v2, v0;
	_ =	sdelay $0x1  }
0x195: {  	v2 =	vadd.s32 v1, v2;
	_ =	sdelay $0x4  }
0x196: {  	[tilespmem:s24], [sflag:$0x2] =	stream.indirect_vreg.gather [hbm4b:s2+s4], $0x80, v2, vm0, $0xb8;
	[tilespmem:$0x10500] =	vst v63  }
0x197: {  	s1 =	simm.s32 $0x4C80  }
0x198: {  	[tilespmem:s1], [sflag:$0x2] =	stream.indirect_vreg.gather [hbm4b:s12+s4], $0x80, v2, vm0, $0xb8;
	[tilespmem:$0x10500] =	vst v63  }
0x199: {  	s1 =	simm.s32 $0x5480  }
0x19a: {  	[tilespmem:s1], [sflag:$0x2] =	stream.indirect_vreg.gather [hbm4b:s13+s4], $0x80, v2, vm0, $0xb8;
	[tilespmem:$0x10500] =	vst v63  }
0x19b: {  	s1 =	simm.s32 $0x5C80  }
0x19c: {  	[tilespmem:s1], [sflag:$0x2] =	stream.indirect_vreg.gather [hbm4b:s14+s4], $0x80, v2, vm0, $0xb8;
	[tilespmem:$0x10500] =	vst v63  }
0x19d: {  	s1 =	simm.s32 $0x6480  }
0x19e: {  	[tilespmem:s1], [sflag:$0x2] =	stream.indirect_vreg.gather [hbm4b:s15+s4], $0x80, v2, vm0, $0xb8;
	[tilespmem:$0x10500] =	vst v63  }
0x19f: {  	s1 =	simm.s32 $0x6C80  }
0x1a0: {  	[tilespmem:s1], [sflag:$0x2] =	stream.indirect_vreg.gather [hbm4b:s16+s4], $0x80, v2, vm0, $0xb8;
	[tilespmem:$0x10500] =	vst v63  }
0x1a1: {  	s1 =	simm.s32 $0x7480  }
0x1a2: {  	[tilespmem:s1], [sflag:$0x2] =	stream.indirect_vreg.gather [hbm4b:s17+s4], $0x80, v2, vm0, $0xb8;
	[tilespmem:$0x10500] =	vst v63  }
0x1a3: {  	s1 =	simm.s32 $0x7C80  }
0x1a4: {  	[tilespmem:s1], [sflag:$0x2] =	stream.indirect_vreg.gather [hbm4b:s18+s4], $0x80, v2, vm0, $0xb8;
	[tilespmem:$0x10500] =	vst v63  }
0x1a5: {  	_ =	swait.ge [sflag:s22], $0x4000  }
0x1a6: {  	[sflag:s22] =	ssyncset.done $0x0  }
0x1a7: {  	s1 =	rddreg [dreg:$0x15];
	[sflag:s22] =	ssyncadd.s32 $0xFFFFC000  }
0x1a8: {  	[hbm4b:s1+s4] =	stream.linear.scatter [tilespmem:s20], [sflag:$0x8], $0x4000, $0x38;
	[tilespmem:$0x10500] =	vst v63  }
0x1a9: {  	_ =	swait.ge [sflag:s23], $0x4000  }
0x1aa: {  	[sflag:s23] =	ssyncset.done $0x0  }
0x1ab: {  	[sflag:s23] =	ssyncadd.s32 $0xFFFFC000  }
0x1ac: {  	v2 =	vld.msk [tilespmem:$0x300], $0xff;
	_ =	sdelay $0x4  }
0x1ad: {  	v3 =	vshll.u32 v2, $0x4  }
0x1ae: {  	v2 =	vand.u32 $0x7, v2;
	v3 =	vand.u32 $0xFFFFFF80, v3  }
0x1af: {  	v2 =	vor.u32 v2, v3  }
0x1b0: {  	v2 =	vperm.xlane v2, v0;
	_ =	sdelay $0x1  }
0x1b1: {  	v2 =	vadd.s32 v1, v2;
	_ =	sdelay $0x4  }
0x1b2: {  	[tilespmem:s25], [sflag:$0x3] =	stream.indirect_vreg.gather [hbm4b:s2+s4], $0x80, v2, vm0, $0xb8;
	[tilespmem:$0x10500] =	vst v63  }
0x1b3: {  	s1 =	simm.s32 $0x8C80  }
0x1b4: {  	[tilespmem:s1], [sflag:$0x3] =	stream.indirect_vreg.gather [hbm4b:s12+s4], $0x80, v2, vm0, $0xb8;
	[tilespmem:$0x10500] =	vst v63  }
0x1b5: {  	s1 =	simm.s32 $0x9480  }
0x1b6: {  	[tilespmem:s1], [sflag:$0x3] =	stream.indirect_vreg.gather [hbm4b:s13+s4], $0x80, v2, vm0, $0xb8;
	[tilespmem:$0x10500] =	vst v63  }
0x1b7: {  	s1 =	simm.s32 $0x9C80  }
0x1b8: {  	[tilespmem:s1], [sflag:$0x3] =	stream.indirect_vreg.gather [hbm4b:s14+s4], $0x80, v2, vm0, $0xb8;
	[tilespmem:$0x10500] =	vst v63  }
0x1b9: {  	s1 =	simm.s32 $0xA480  }
0x1ba: {  	[tilespmem:s1], [sflag:$0x3] =	stream.indirect_vreg.gather [hbm4b:s15+s4], $0x80, v2, vm0, $0xb8;
	[tilespmem:$0x10500] =	vst v63  }
0x1bb: {  	s1 =	simm.s32 $0xAC80  }
0x1bc: {  	[tilespmem:s1], [sflag:$0x3] =	stream.indirect_vreg.gather [hbm4b:s16+s4], $0x80, v2, vm0, $0xb8;
	[tilespmem:$0x10500] =	vst v63  }
0x1bd: {  	s1 =	simm.s32 $0xB480  }
0x1be: {  	[tilespmem:s1], [sflag:$0x3] =	stream.indirect_vreg.gather [hbm4b:s17+s4], $0x80, v2, vm0, $0xb8;
	[tilespmem:$0x10500] =	vst v63  }
0x1bf: {  	s1 =	simm.s32 $0xBC80  }
0x1c0: {  	[tilespmem:s1], [sflag:$0x3] =	stream.indirect_vreg.gather [hbm4b:s18+s4], $0x80, v2, vm0, $0xb8;
	[tilespmem:$0x10500] =	vst v63  }
0x1c1: {  	_ =	swait.ge [sflag:s28], $0x4000  }
0x1c2: {  	[sflag:s28] =	ssyncset.done $0x0  }
0x1c3: {  	s1 =	rddreg [dreg:$0x16];
	[sflag:s28] =	ssyncadd.s32 $0xFFFFC000  }
0x1c4: {  	[hbm4b:s1+s4] =	stream.linear.scatter [tilespmem:s30], [sflag:$0x5], $0x4000, $0x38;
	[tilespmem:$0x10500] =	vst v63  }
0x1c5: {  	_ =	swait.ge [sflag:s19], $0x4000  }
0x1c6: {  	[sflag:s19] =	ssyncset.done $0x0  }
0x1c7: {  	[sflag:s19] =	ssyncadd.s32 $0xFFFFC000  }
0x1c8: {  	v2 =	vld.msk [tilespmem:$0x380], $0xff;
	_ =	sdelay $0x4  }
0x1c9: {  	v3 =	vshll.u32 v2, $0x4  }
0x1ca: {  	v2 =	vand.u32 $0x7, v2;
	v3 =	vand.u32 $0xFFFFFF80, v3  }
0x1cb: {  	v2 =	vor.u32 v2, v3  }
0x1cc: {  	v2 =	vperm.xlane v2, v0;
	_ =	sdelay $0x1  }
0x1cd: {  	v2 =	vadd.s32 v1, v2;
	_ =	sdelay $0x4  }
0x1ce: {  	[tilespmem:s20], [sflag:$0x4] =	stream.indirect_vreg.gather [hbm4b:s2+s4], $0x80, v2, vm0, $0xb8;
	[tilespmem:$0x10500] =	vst v63  }
0x1cf: {  	s26 =	simm.s32 $0xCC80  }
0x1d0: {  	[tilespmem:s26], [sflag:$0x4] =	stream.indirect_vreg.gather [hbm4b:s12+s4], $0x80, v2, vm0, $0xb8;
	[tilespmem:$0x10500] =	vst v63  }
0x1d1: {  	s2 =	simm.s32 $0xD480  }
0x1d2: {  	[tilespmem:s2], [sflag:$0x4] =	stream.indirect_vreg.gather [hbm4b:s13+s4], $0x80, v2, vm0, $0xb8;
	[tilespmem:$0x10500] =	vst v63  }
0x1d3: {  	s21 =	simm.s32 $0xDC80  }
0x1d4: {  	[tilespmem:s21], [sflag:$0x4] =	stream.indirect_vreg.gather [hbm4b:s14+s4], $0x80, v2, vm0, $0xb8;
	[tilespmem:$0x10500] =	vst v63  }
0x1d5: {  	s26 =	simm.s32 $0xE480  }
0x1d6: {  	[tilespmem:s26], [sflag:$0x4] =	stream.indirect_vreg.gather [hbm4b:s15+s4], $0x80, v2, vm0, $0xb8;
	[tilespmem:$0x10500] =	vst v63  }
0x1d7: {  	s30 =	simm.s32 $0xEC80  }
0x1d8: {  	[tilespmem:s30], [sflag:$0x4] =	stream.indirect_vreg.gather [hbm4b:s16+s4], $0x80, v2, vm0, $0xb8;
	[tilespmem:$0x10500] =	vst v63  }
0x1d9: {  	s2 =	simm.s32 $0xF480  }
0x1da: {  	[tilespmem:s2], [sflag:$0x4] =	stream.indirect_vreg.gather [hbm4b:s17+s4], $0x80, v2, vm0, $0xb8;
	[tilespmem:$0x10500] =	vst v63  }
0x1db: {  	s21 =	simm.s32 $0xFC80  }
0x1dc: {  	[tilespmem:s21], [sflag:$0x4] =	stream.indirect_vreg.gather [hbm4b:s18+s4], $0x80, v2, vm0, $0xb8;
	[tilespmem:$0x10500] =	vst v63  }
0x1dd: {  	_ =	swait.ge [sflag:s29], $0x4000  }
0x1de: {  	[sflag:s29] =	ssyncset.done $0x0  }
0x1df: {  	s26 =	rddreg [dreg:$0x17];
	[sflag:s29] =	ssyncadd.s32 $0xFFFFC000  }
0x1e0: {  	[hbm4b:s26+s4] =	stream.linear.scatter [tilespmem:s24], [sflag:$0x6], $0x4000, $0x38;
	[tilespmem:$0x10500] =	vst v63  }
0x1e1: {  	_ =	swait.ge [sflag:s0], $0x4000  }
0x1e2: {  	[sflag:s0] =	ssyncset.done $0x0  }
0x1e3: {  	s30 =	rddreg [dreg:$0x18];
	[sflag:s0] =	ssyncadd.s32 $0xFFFFC000  }
0x1e4: {  	[hbm4b:s30+s4] =	stream.linear.scatter [tilespmem:s25], [sflag:$0x7], $0x4000, $0x38;
	[tilespmem:$0x10500] =	vst v63  }
0x1e5: {  	_ =	swait.ge [sflag:s22], $0x4000  }
0x1e6: {  	[sflag:s22] =	ssyncset.done $0x0  }
0x1e7: {  	s2 =	rddreg [dreg:$0x19];
	[sflag:s22] =	ssyncadd.s32 $0xFFFFC000  }
0x1e8: {  	[hbm4b:s2+s4] =	stream.linear.scatter [tilespmem:s20], [sflag:$0x8], $0x4000, $0x38;
	[tilespmem:$0x10500] =	vst v63  }
0x1e9: {  	_ =	swait.ge [sflag:s31], $0x4000  }
0x1ea: {  	[sflag:s31] =	ssyncset.done $0x0  }
0x1eb: {  	[sflag:s31] =	ssyncadd.s32 $0xFFFFC000  }
0x1ec: {  	_ =	swait.ge [sflag:s3], $0x4000  }
0x1ed: {  	[sflag:s3] =	ssyncset.done $0x0  }
0x1ee: {  	[sflag:s3] =	ssyncadd.s32 $0xFFFFC000  }
0x1ef: {  	_ =	swait.ge [sflag:s23], $0x4000  }
0x1f0: {  	[sflag:s23] =	ssyncset.done $0x0  }
0x1f1: {  	[sflag:s23] =	ssyncadd.s32 $0xFFFFC000  }
0x1f2: {  	_ =	swait.ge [sflag:s19], $0x4000  }
0x1f3: {  	[sflag:s19] =	ssyncset.done $0x0  }
0x1f4: {  	s20 =	simm.s32 $0x9;
	[sflag:s19] =	ssyncadd.s32 $0xFFFFC000  }
0x1f5: {  	_ =	swait.ge [sflag:s20], $0x40  }
0x1f6: {  	s24 =	simm.s32 $0x10480;
	s25 =	rddreg [dreg:$0x1c]  }
0x1f7: {  	s26 =	simm.s32 $0xA;
	[sflag:s20] =	ssyncset.done $0x0;
	p0 =	sne.s32 s25, $0x1  }
.Ltmp0:
0x1f8: {  	s21 =	rddreg [dreg:$0x1a];
	[sflag:s20] =	ssyncadd.s32 $0xFFFFFFC0;
	(pc) =	sbr.rel @p0 .LBB2_1-.Ltmp0, $4  }
0x1f9: {  	[hbm4b:s21+s4] =	stream.linear.scatter [tilespmem:s24], [sflag:$0xA], $0x40, $0x38;
	[tilespmem:$0x10500] =	vst v63  }
0x1fa: {  	_ =	swait.ge [sflag:s26], $0x40  }
0x1fb: {  	s30 =	simm.s32 $0xA;
	[sflag:s26] =	ssyncset.done $0x0  }
0x1fc: {  	s2 =	sadd.s32 $0xFFFFFFFF, s25;
	[sflag:s30] =	ssyncadd.s32 $0xFFFFFFC0  }
0x1fd: {  	_ =	sfence.sel $0x180000  }
0x1fe: {  	[bflag:$0x0] =	sbarrier.arrive $0xFFFF  }
0x1ff: {  	_ =	strace $0x90000047  }
0x200: {  	s0 =	stileid.u32;
	[bflag:$0x2] =	sbarrier.arrive $0xFFFF  }
0x201: {  	p0 =	sne.s32 s0, $0x0;
	s0 =	rddreg [dreg:$0x6]  }
0x202: {  	s0 =	sadd.s32 @!p0 $0x100000, s0  }
0x203: {  	[sflag:s0] =	ssyncadd.tile.s32 @!p0 $0x1;
	_ =	shalt  }
.Lfunc_end2:
_tile_overlayer_lowered:
.L_overlay_start_2:
0x204: {  	(tag) =	ssettag $0x2  }
0x205: {  	s0 =	rddreg [dreg:$0x0];
	s2 =	stileid.u32  }
0x206: {  	s1 =	rddreg [dreg:$0x1];
	p0 =	sne.s32 s2, $0x0  }
0x207: {  	s3 =	rddreg [dreg:$0x2];
	[bflag:$0x3] =	sbarrier.arrive $0xFFFF;
	s2 =	simm.s32 @!p0 $0x1C0A  }
0x208: {  	[timem:s3], [sflag:s2] =	dma.local @!p0 [hbm:s0], s1  }
0x209: {  	s0 =	simm.s32 @!p0 $0xA  }
0x20a: {  	_ =	swait.ge @!p0 [sflag:s0], s1  }
0x20b: {  	s1 =	ssub.s32 @!p0 $0x0, s1;
	[sflag:s0] =	ssyncset.done @!p0 $0x0  }
0x20c: {  	[sflag:s0] =	ssyncadd.s32 @!p0 s1  }
0x20d: {  	[bflag:$0x3] =	sbarrier.arrive $0xFFFF  }
0x20e: {  	_ =	shalt  }

</sc_bundles>
